<compile_context>
chip_gen: v7x
topology: tpu7x:2x2x1
jax: 0.10.2.dev20260603
libtpu: 0.0.44.dev20260713+nightly
codegen_flags: <defaults>
</compile_context>

<pallas_src>
import functools

import jax
import jax.numpy as jnp
from jax import lax
from jax.experimental import pallas as pl
from jax.experimental.pallas import tpu as pltpu
from jax.experimental.pallas import tpu_sc as plsc

N_RAYS = 8192
S = 128
LAMBDA_OPACITY = 0.001
LAMBDA_DISTORTION = 0.001

NUM_CORES = 2
NUM_SUBCORES = 16
NUM_WORKERS = NUM_CORES * NUM_SUBCORES
RAYS_PER_WORKER = N_RAYS // NUM_WORKERS
ELEMS_PER_WORKER = RAYS_PER_WORKER * S
LANES = 16


def _sc_distortion(ws_hbm, ts_hbm, deltas_hbm, out_hbm, w_v, t_v, d_v, out_v,
                   sem_w, sem_t, sem_d):
    wid = lax.axis_index("s") * NUM_CORES + lax.axis_index("c")
    ray_base = wid * RAYS_PER_WORKER
    elem_base = ray_base * S

    cp_w = pltpu.make_async_copy(
        ws_hbm.at[pl.ds(elem_base, ELEMS_PER_WORKER)], w_v, sem_w)
    cp_t = pltpu.make_async_copy(
        ts_hbm.at[pl.ds(elem_base, ELEMS_PER_WORKER)], t_v, sem_t)
    cp_d = pltpu.make_async_copy(
        deltas_hbm.at[pl.ds(elem_base, ELEMS_PER_WORKER)], d_v, sem_d)
    cp_w.start()
    cp_t.start()
    cp_d.start()
    cp_w.wait()
    cp_t.wait()
    cp_d.wait()

    lane = lax.iota(jnp.int32, LANES)
    lane0 = lane == 0
    zero = jnp.zeros((LANES,), jnp.float32)

    @plsc.parallel_loop(0, RAYS_PER_WORKER)
    def ray_body(ray):
        off = ray * S
        cw = cwt = acc_bi = acc_uni = zero
        for v in range(S // LANES):
            sl = pl.ds(off + v * LANES, LANES)
            w = w_v[sl]
            t = t_v[sl]
            d = d_v[sl]
            wt = w * t
            iw = plsc.cumsum(w)
            iwt = plsc.cumsum(wt)
            excl_w = iw - w + cw
            excl_wt = iwt - wt + cwt
            acc_bi = acc_bi + (wt * excl_w - w * excl_wt)
            acc_uni = acc_uni + (w * w) * d
            cw = cw + jnp.sum(w)
            cwt = cwt + jnp.sum(wt)
        lossv = 2.0 * acc_bi + (1.0 / 3.0) * acc_uni
        loss = jnp.full((LANES,), jnp.sum(lossv)) * LAMBDA_DISTORTION
        plsc.store_scatter(out_v, [jnp.full((LANES,), ray, jnp.int32)],
                           loss, mask=lane0)

    pltpu.sync_copy(out_v, out_hbm.at[pl.ds(ray_base, RAYS_PER_WORKER)])


@functools.partial(
    pl.kernel,
    out_type=jax.ShapeDtypeStruct((N_RAYS,), jnp.float32),
    mesh=plsc.VectorSubcoreMesh(core_axis_name="c", subcore_axis_name="s"),
    compiler_params=pltpu.CompilerParams(needs_layout_passes=False),
    scratch_types=[
        pltpu.VMEM((ELEMS_PER_WORKER,), jnp.float32),
        pltpu.VMEM((ELEMS_PER_WORKER,), jnp.float32),
        pltpu.VMEM((ELEMS_PER_WORKER,), jnp.float32),
        pltpu.VMEM((RAYS_PER_WORKER,), jnp.float32),
        pltpu.SemaphoreType.DMA,
        pltpu.SemaphoreType.DMA,
        pltpu.SemaphoreType.DMA,
    ],
)
def _distortion_call(ws_hbm, ts_hbm, deltas_hbm, out_hbm, w_v, t_v, d_v, out_v,
                     sem_w, sem_t, sem_d):
    _sc_distortion(ws_hbm, ts_hbm, deltas_hbm, out_hbm, w_v, t_v, d_v, out_v,
                   sem_w, sem_t, sem_d)


def _tc_elementwise(rgb_ref, tgt_ref, op_ref, drgb_ref, dop_ref):
    diff = rgb_ref[...] - tgt_ref[...]
    drgb_ref[...] = diff * diff + 1e-05
    o = op_ref[...] + 1e-05
    dop_ref[...] = -LAMBDA_OPACITY * (o * jnp.log(o))


def kernel(rgb, target_rgb, opacity, ws, deltas, ts, rays_a):
    d_distortion = _distortion_call(ws, ts, deltas)
    d_rgb, d_opacity = pl.pallas_call(
        _tc_elementwise,
        out_shape=[
            jax.ShapeDtypeStruct((N_RAYS, 3), jnp.float32),
            jax.ShapeDtypeStruct((N_RAYS, 1), jnp.float32),
        ],
    )(rgb, target_rgb, opacity)
    return (d_rgb, d_opacity, d_distortion)

# --- scband reference (transcript-rebuilt; emitter-appended) ---
"""Pipeline reference for scband-ne-rfloss-85779086835715 (READ-ONLY COPY).

The authoritative reference and input builder live on the scoring server;
editing this copy changes nothing except your own understanding.
"""

import jax, jax.numpy as jnp
import numpy as np

N_RAYS = 8192
S = 128
N = N_RAYS * S
LAMBDA_OPACITY = 0.001
LAMBDA_DISTORTION = 0.001


def setup_inputs(seed: int = 0) -> dict:
    key = jax.random.key(seed)
    ks = jax.random.split(key, 6)
    rgb = jax.random.uniform(ks[0], (N_RAYS, 3), dtype=jnp.float32)
    target_rgb = jax.random.uniform(ks[1], (N_RAYS, 3), dtype=jnp.float32)
    opacity = jax.random.uniform(ks[2], (N_RAYS, 1), dtype=jnp.float32)
    ws = jax.random.uniform(ks[3], (N,), dtype=jnp.float32)
    deltas = jax.random.uniform(ks[4], (N,), dtype=jnp.float32) * 0.01
    # midpoints: sorted within each ray segment (monotone along the ray)
    ts = jnp.sort(jax.random.uniform(ks[5], (N_RAYS, S), dtype=jnp.float32), axis=1).reshape(N)
    ray_idx = jnp.arange(N_RAYS, dtype=jnp.int32)
    start_idx = ray_idx * S
    n_samples = jnp.full((N_RAYS,), S, dtype=jnp.int32)
    rays_a = jnp.stack([ray_idx, start_idx, n_samples], axis=1)
    return {"rgb": rgb, "target_rgb": target_rgb, "opacity": opacity,
            "ws": ws, "deltas": deltas, "ts": ts, "rays_a": rays_a}


def _distortion_loss(ws, deltas, ts, rays_a):
    # Mip-NeRF 360 distortion loss, DVGO-v2 inclusive-scan formulation:
    # loss_ray = 2*sum_i w_i*(t_i*W_{<i} - WT_{<i}) + (1/3)*sum_i w_i^2*delta_i
    n = ws.shape[0]
    n_rays = rays_a.shape[0]
    ray_idx = rays_a[:, 0]
    start = rays_a[:, 1]
    n_samples = rays_a[:, 2]
    seg = jnp.repeat(jnp.arange(n_rays, dtype=jnp.int32), n_samples, total_repeat_length=n)
    wts = ws * ts
    cw = jnp.cumsum(ws)
    cwt = jnp.cumsum(wts)
    sw = jnp.concatenate([jnp.zeros((1,), ws.dtype), cw[:-1]])
    swt = jnp.concatenate([jnp.zeros((1,), ws.dtype), cwt[:-1]])
    # per-ray exclusive scans: subtract scan value at segment start
    excl_w = sw - sw[start][seg]
    excl_wt = swt - swt[start][seg]
    loss_bi = 2.0 * ws * (ts * excl_w - excl_wt)
    loss_uni = (1.0 / 3.0) * ws * ws * deltas
    per_seg = jax.ops.segment_sum(loss_bi + loss_uni, seg, num_segments=n_rays)
    # place each segment's loss at its ray_idx slot
    return jnp.zeros((n_rays,), ws.dtype).at[ray_idx].add(per_seg)


def reference(rgb, target_rgb, opacity, ws, deltas, ts, rays_a):
    d_rgb = (rgb - target_rgb) ** 2 + 1e-05
    o = opacity + 1e-05
    d_opacity = LAMBDA_OPACITY * (-o * jnp.log(o))
    d_distortion = LAMBDA_DISTORTION * _distortion_loss(ws, deltas, ts, rays_a)
    return (d_rgb, d_opacity, d_distortion)

if __name__ == "__main__":
    import jax
    _d = setup_inputs()
    print(jax.jit(kernel)(*tuple(_d.values())))

</pallas_src>

<mosaic_0001>
#map = affine_map<(d0, d1) -> (0)>
module attributes {stable_mosaic.version = 14 : i64} {
  func.func @_distortion_call(%arg0: i32, %arg1: i32, %arg2: memref<1048576xf32, #tpu.memory_space<hbm>>, %arg3: memref<1048576xf32, #tpu.memory_space<hbm>>, %arg4: memref<1048576xf32, #tpu.memory_space<hbm>>, %arg5: memref<8192xf32, #tpu.memory_space<hbm>>, %arg6: memref<32768xf32, #tpu.memory_space<vmem>>, %arg7: memref<32768xf32, #tpu.memory_space<vmem>>, %arg8: memref<32768xf32, #tpu.memory_space<vmem>>, %arg9: memref<256xf32, #tpu.memory_space<vmem>>, %arg10: memref<!tpu.dma_semaphore, #tpu.memory_space<semaphore_mem>>, %arg11: memref<!tpu.dma_semaphore, #tpu.memory_space<semaphore_mem>>, %arg12: memref<!tpu.dma_semaphore, #tpu.memory_space<semaphore_mem>>) attributes {dimension_semantics = [#tpu.dimension_semantics<core_parallel>, #tpu.dimension_semantics<subcore_parallel>], iteration_bounds = array<i64: 2, 16>, scalar_prefetch = 0 : i64, scratch_operands = 7 : i64, tpu.core_type = #tpu.core_type<sc_vector_subcore>, window_params = [{transform_indices = #map}, {transform_indices = #map}, {transform_indices = #map}, {transform_indices = #map}]} {
    %mul3A = arith.constant 2 : i32
    %mul3A_0 = arith.muli %arg1, %mul3A : i32
    %add3A = arith.addi %mul3A_0, %arg0 : i32
    %mul3A_1 = arith.constant 256 : i32
    %mul3A_2 = arith.muli %add3A, %mul3A_1 : i32
    %mul3A_3 = arith.constant 128 : i32
    %mul3A_4 = arith.muli %mul3A_2, %mul3A_3 : i32
    %dma_start3A = tpu.memref_slice %arg2[%mul3A_4] : memref<1048576xf32, #tpu.memory_space<hbm>> -> memref<32768xf32, #tpu.memory_space<hbm>>
    %dma_start3A_5 = tpu.memref_slice %arg2[%mul3A_4] : memref<1048576xf32, #tpu.memory_space<hbm>> -> memref<32768xf32, #tpu.memory_space<hbm>>
    tpu.enqueue_dma source(%dma_start3A_5 : memref<32768xf32, #tpu.memory_space<hbm>>) target(%arg6 : memref<32768xf32, #tpu.memory_space<vmem>>) target_semaphore(%arg10 : memref<!tpu.dma_semaphore, #tpu.memory_space<semaphore_mem>>)
    %dma_start3A_6 = tpu.memref_slice %arg3[%mul3A_4] : memref<1048576xf32, #tpu.memory_space<hbm>> -> memref<32768xf32, #tpu.memory_space<hbm>>
    %dma_start3A_7 = tpu.memref_slice %arg3[%mul3A_4] : memref<1048576xf32, #tpu.memory_space<hbm>> -> memref<32768xf32, #tpu.memory_space<hbm>>
    tpu.enqueue_dma source(%dma_start3A_7 : memref<32768xf32, #tpu.memory_space<hbm>>) target(%arg7 : memref<32768xf32, #tpu.memory_space<vmem>>) target_semaphore(%arg11 : memref<!tpu.dma_semaphore, #tpu.memory_space<semaphore_mem>>)
    %dma_start3A_8 = tpu.memref_slice %arg4[%mul3A_4] : memref<1048576xf32, #tpu.memory_space<hbm>> -> memref<32768xf32, #tpu.memory_space<hbm>>
    %dma_start3A_9 = tpu.memref_slice %arg4[%mul3A_4] : memref<1048576xf32, #tpu.memory_space<hbm>> -> memref<32768xf32, #tpu.memory_space<hbm>>
    tpu.enqueue_dma source(%dma_start3A_9 : memref<32768xf32, #tpu.memory_space<hbm>>) target(%arg8 : memref<32768xf32, #tpu.memory_space<vmem>>) target_semaphore(%arg12 : memref<!tpu.dma_semaphore, #tpu.memory_space<semaphore_mem>>)
    %dma_wait3A = tpu.memref_slice %arg2[%mul3A_4] : memref<1048576xf32, #tpu.memory_space<hbm>> -> memref<32768xf32, #tpu.memory_space<hbm>>
    %dma_wait3A_10 = tpu.memref_slice %arg2[%mul3A_4] : memref<1048576xf32, #tpu.memory_space<hbm>> -> memref<32768xf32, #tpu.memory_space<hbm>>
    tpu.wait_dma2 semaphore(%arg10 : memref<!tpu.dma_semaphore, #tpu.memory_space<semaphore_mem>>) src(%dma_wait3A_10 : memref<32768xf32, #tpu.memory_space<hbm>>) dst(%arg6 : memref<32768xf32, #tpu.memory_space<vmem>>)
    %dma_wait3A_11 = tpu.memref_slice %arg3[%mul3A_4] : memref<1048576xf32, #tpu.memory_space<hbm>> -> memref<32768xf32, #tpu.memory_space<hbm>>
    %dma_wait3A_12 = tpu.memref_slice %arg3[%mul3A_4] : memref<1048576xf32, #tpu.memory_space<hbm>> -> memref<32768xf32, #tpu.memory_space<hbm>>
    tpu.wait_dma2 semaphore(%arg11 : memref<!tpu.dma_semaphore, #tpu.memory_space<semaphore_mem>>) src(%dma_wait3A_12 : memref<32768xf32, #tpu.memory_space<hbm>>) dst(%arg7 : memref<32768xf32, #tpu.memory_space<vmem>>)
    %dma_wait3A_13 = tpu.memref_slice %arg4[%mul3A_4] : memref<1048576xf32, #tpu.memory_space<hbm>> -> memref<32768xf32, #tpu.memory_space<hbm>>
    %dma_wait3A_14 = tpu.memref_slice %arg4[%mul3A_4] : memref<1048576xf32, #tpu.memory_space<hbm>> -> memref<32768xf32, #tpu.memory_space<hbm>>
    tpu.wait_dma2 semaphore(%arg12 : memref<!tpu.dma_semaphore, #tpu.memory_space<semaphore_mem>>) src(%dma_wait3A_14 : memref<32768xf32, #tpu.memory_space<hbm>>) dst(%arg8 : memref<32768xf32, #tpu.memory_space<vmem>>)
    %iota3A = tpu.iota {dimensions = array<i32: 0>} : vector<16xi32>
    %eq3A = arith.constant 0 : i32
    %eq3A_15 = vector.broadcast %eq3A : i32 to vector<16xi32>
    %eq3A_16 = arith.cmpi eq, %iota3A, %eq3A_15 : vector<16xi32>
    %broadcast_in_dim3A = arith.constant 0.000000e+00 : f32
    %broadcast_in_dim3A_17 = vector.broadcast %broadcast_in_dim3A : f32 to vector<16xf32>
    %parallel_loop3A = arith.constant 0 : i32
    %parallel_loop3A_18 = arith.constant 256 : i32
    %parallel_loop3A_19 = arith.constant 1 : i32
    scf.for %parallel_loop3A_20 = %parallel_loop3A to %parallel_loop3A_18 step %parallel_loop3A_19  : i32 {
      %parallel_loop3A_21 = arith.constant 128 : i32
      %parallel_loop3A_22 = arith.muli %parallel_loop3A_20, %parallel_loop3A_21 : i32
      %parallel_loop3A_23 = arith.constant 0 : i32
      %parallel_loop3A_24 = arith.addi %parallel_loop3A_22, %parallel_loop3A_23 : i32
      %parallel_loop3A_25 = arith.index_cast %parallel_loop3A_24 : i32 to index
      %parallel_loop3A_26 = tpu.vector_load %arg6[%parallel_loop3A_25] {strides = array<i32>} : memref<32768xf32, #tpu.memory_space<vmem>>, vector<16xf32>,
      %parallel_loop3A_27 = arith.index_cast %parallel_loop3A_24 : i32 to index
      %parallel_loop3A_28 = tpu.vector_load %arg7[%parallel_loop3A_27] {strides = array<i32>} : memref<32768xf32, #tpu.memory_space<vmem>>, vector<16xf32>,
      %parallel_loop3A_29 = arith.index_cast %parallel_loop3A_24 : i32 to index
      %parallel_loop3A_30 = tpu.vector_load %arg8[%parallel_loop3A_29] {strides = array<i32>} : memref<32768xf32, #tpu.memory_space<vmem>>, vector<16xf32>,
      %parallel_loop3A_31 = arith.mulf %parallel_loop3A_26, %parallel_loop3A_28 : vector<16xf32>
      %parallel_loop3A_32 = arith.constant true
      %parallel_loop3A_33 = vector.broadcast %parallel_loop3A_32 : i1 to vector<16xi1>
      %parallel_loop3A_34 = tpu.scan <sum>, %parallel_loop3A_26 masked %parallel_loop3A_33 : vector<16xf32>, vector<16xi1> -> vector<16xf32>
      %parallel_loop3A_35 = arith.constant true
      %parallel_loop3A_36 = vector.broadcast %parallel_loop3A_35 : i1 to vector<16xi1>
      %parallel_loop3A_37 = tpu.scan <sum>, %parallel_loop3A_31 masked %parallel_loop3A_36 : vector<16xf32>, vector<16xi1> -> vector<16xf32>
      %parallel_loop3A_38 = arith.subf %parallel_loop3A_34, %parallel_loop3A_26 : vector<16xf32>
      %parallel_loop3A_39 = arith.addf %parallel_loop3A_38, %broadcast_in_dim3A_17 : vector<16xf32>
      %parallel_loop3A_40 = arith.subf %parallel_loop3A_37, %parallel_loop3A_31 : vector<16xf32>
      %parallel_loop3A_41 = arith.addf %parallel_loop3A_40, %broadcast_in_dim3A_17 : vector<16xf32>
      %parallel_loop3A_42 = arith.mulf %parallel_loop3A_31, %parallel_loop3A_39 : vector<16xf32>
      %parallel_loop3A_43 = arith.mulf %parallel_loop3A_26, %parallel_loop3A_41 : vector<16xf32>
      %parallel_loop3A_44 = arith.subf %parallel_loop3A_42, %parallel_loop3A_43 : vector<16xf32>
      %parallel_loop3A_45 = arith.addf %broadcast_in_dim3A_17, %parallel_loop3A_44 : vector<16xf32>
      %parallel_loop3A_46 = arith.mulf %parallel_loop3A_26, %parallel_loop3A_26 : vector<16xf32>
      %parallel_loop3A_47 = arith.mulf %parallel_loop3A_46, %parallel_loop3A_30 : vector<16xf32>
      %parallel_loop3A_48 = arith.addf %broadcast_in_dim3A_17, %parallel_loop3A_47 : vector<16xf32>
      %parallel_loop3A_49 = arith.constant true
      %parallel_loop3A_50 = vector.broadcast %parallel_loop3A_49 : i1 to vector<16xi1>
      %parallel_loop3A_51 = tpu.scan <sum>, %parallel_loop3A_26 masked %parallel_loop3A_50 : vector<16xf32>, vector<16xi1> -> vector<16xf32>
      %parallel_loop3A_52 = vector.extract %parallel_loop3A_51[15] : f32 from vector<16xf32>
      %parallel_loop3A_53 = vector.broadcast %parallel_loop3A_52 : f32 to vector<16xf32>
      %parallel_loop3A_54 = arith.addf %broadcast_in_dim3A_17, %parallel_loop3A_53 : vector<16xf32>
      %parallel_loop3A_55 = arith.constant true
      %parallel_loop3A_56 = vector.broadcast %parallel_loop3A_55 : i1 to vector<16xi1>
      %parallel_loop3A_57 = tpu.scan <sum>, %parallel_loop3A_31 masked %parallel_loop3A_56 : vector<16xf32>, vector<16xi1> -> vector<16xf32>
      %parallel_loop3A_58 = vector.extract %parallel_loop3A_57[15] : f32 from vector<16xf32>
      %parallel_loop3A_59 = vector.broadcast %parallel_loop3A_58 : f32 to vector<16xf32>
      %parallel_loop3A_60 = arith.addf %broadcast_in_dim3A_17, %parallel_loop3A_59 : vector<16xf32>
      %parallel_loop3A_61 = arith.constant 16 : i32
      %parallel_loop3A_62 = arith.addi %parallel_loop3A_22, %parallel_loop3A_61 : i32
      %parallel_loop3A_63 = arith.index_cast %parallel_loop3A_62 : i32 to index
      %parallel_loop3A_64 = tpu.vector_load %arg6[%parallel_loop3A_63] {strides = array<i32>} : memref<32768xf32, #tpu.memory_space<vmem>>, vector<16xf32>,
      %parallel_loop3A_65 = arith.index_cast %parallel_loop3A_62 : i32 to index
      %parallel_loop3A_66 = tpu.vector_load %arg7[%parallel_loop3A_65] {strides = array<i32>} : memref<32768xf32, #tpu.memory_space<vmem>>, vector<16xf32>,
      %parallel_loop3A_67 = arith.index_cast %parallel_loop3A_62 : i32 to index
      %parallel_loop3A_68 = tpu.vector_load %arg8[%parallel_loop3A_67] {strides = array<i32>} : memref<32768xf32, #tpu.memory_space<vmem>>, vector<16xf32>,
      %parallel_loop3A_69 = arith.mulf %parallel_loop3A_64, %parallel_loop3A_66 : vector<16xf32>
      %parallel_loop3A_70 = arith.constant true
      %parallel_loop3A_71 = vector.broadcast %parallel_loop3A_70 : i1 to vector<16xi1>
      %parallel_loop3A_72 = tpu.scan <sum>, %parallel_loop3A_64 masked %parallel_loop3A_71 : vector<16xf32>, vector<16xi1> -> vector<16xf32>
      %parallel_loop3A_73 = arith.constant true
      %parallel_loop3A_74 = vector.broadcast %parallel_loop3A_73 : i1 to vector<16xi1>
      %parallel_loop3A_75 = tpu.scan <sum>, %parallel_loop3A_69 masked %parallel_loop3A_74 : vector<16xf32>, vector<16xi1> -> vector<16xf32>
      %parallel_loop3A_76 = arith.subf %parallel_loop3A_72, %parallel_loop3A_64 : vector<16xf32>
      %parallel_loop3A_77 = arith.addf %parallel_loop3A_76, %parallel_loop3A_54 : vector<16xf32>
      %parallel_loop3A_78 = arith.subf %parallel_loop3A_75, %parallel_loop3A_69 : vector<16xf32>
      %parallel_loop3A_79 = arith.addf %parallel_loop3A_78, %parallel_loop3A_60 : vector<16xf32>
      %parallel_loop3A_80 = arith.mulf %parallel_loop3A_69, %parallel_loop3A_77 : vector<16xf32>
      %parallel_loop3A_81 = arith.mulf %parallel_loop3A_64, %parallel_loop3A_79 : vector<16xf32>
      %parallel_loop3A_82 = arith.subf %parallel_loop3A_80, %parallel_loop3A_81 : vector<16xf32>
      %parallel_loop3A_83 = arith.addf %parallel_loop3A_45, %parallel_loop3A_82 : vector<16xf32>
      %parallel_loop3A_84 = arith.mulf %parallel_loop3A_64, %parallel_loop3A_64 : vector<16xf32>
      %parallel_loop3A_85 = arith.mulf %parallel_loop3A_84, %parallel_loop3A_68 : vector<16xf32>
      %parallel_loop3A_86 = arith.addf %parallel_loop3A_48, %parallel_loop3A_85 : vector<16xf32>
      %parallel_loop3A_87 = arith.constant true
      %parallel_loop3A_88 = vector.broadcast %parallel_loop3A_87 : i1 to vector<16xi1>
      %parallel_loop3A_89 = tpu.scan <sum>, %parallel_loop3A_64 masked %parallel_loop3A_88 : vector<16xf32>, vector<16xi1> -> vector<16xf32>
      %parallel_loop3A_90 = vector.extract %parallel_loop3A_89[15] : f32 from vector<16xf32>
      %parallel_loop3A_91 = vector.broadcast %parallel_loop3A_90 : f32 to vector<16xf32>
      %parallel_loop3A_92 = arith.addf %parallel_loop3A_54, %parallel_loop3A_91 : vector<16xf32>
      %parallel_loop3A_93 = arith.constant true
      %parallel_loop3A_94 = vector.broadcast %parallel_loop3A_93 : i1 to vector<16xi1>
      %parallel_loop3A_95 = tpu.scan <sum>, %parallel_loop3A_69 masked %parallel_loop3A_94 : vector<16xf32>, vector<16xi1> -> vector<16xf32>
      %parallel_loop3A_96 = vector.extract %parallel_loop3A_95[15] : f32 from vector<16xf32>
      %parallel_loop3A_97 = vector.broadcast %parallel_loop3A_96 : f32 to vector<16xf32>
      %parallel_loop3A_98 = arith.addf %parallel_loop3A_60, %parallel_loop3A_97 : vector<16xf32>
      %parallel_loop3A_99 = arith.constant 32 : i32
      %parallel_loop3A_100 = arith.addi %parallel_loop3A_22, %parallel_loop3A_99 : i32
      %parallel_loop3A_101 = arith.index_cast %parallel_loop3A_100 : i32 to index
      %parallel_loop3A_102 = tpu.vector_load %arg6[%parallel_loop3A_101] {strides = array<i32>} : memref<32768xf32, #tpu.memory_space<vmem>>, vector<16xf32>,
      %parallel_loop3A_103 = arith.index_cast %parallel_loop3A_100 : i32 to index
      %parallel_loop3A_104 = tpu.vector_load %arg7[%parallel_loop3A_103] {strides = array<i32>} : memref<32768xf32, #tpu.memory_space<vmem>>, vector<16xf32>,
      %parallel_loop3A_105 = arith.index_cast %parallel_loop3A_100 : i32 to index
      %parallel_loop3A_106 = tpu.vector_load %arg8[%parallel_loop3A_105] {strides = array<i32>} : memref<32768xf32, #tpu.memory_space<vmem>>, vector<16xf32>,
      %parallel_loop3A_107 = arith.mulf %parallel_loop3A_102, %parallel_loop3A_104 : vector<16xf32>
      %parallel_loop3A_108 = arith.constant true
      %parallel_loop3A_109 = vector.broadcast %parallel_loop3A_108 : i1 to vector<16xi1>
      %parallel_loop3A_110 = tpu.scan <sum>, %parallel_loop3A_102 masked %parallel_loop3A_109 : vector<16xf32>, vector<16xi1> -> vector<16xf32>
      %parallel_loop3A_111 = arith.constant true
      %parallel_loop3A_112 = vector.broadcast %parallel_loop3A_111 : i1 to vector<16xi1>
      %parallel_loop3A_113 = tpu.scan <sum>, %parallel_loop3A_107 masked %parallel_loop3A_112 : vector<16xf32>, vector<16xi1> -> vector<16xf32>
      %parallel_loop3A_114 = arith.subf %parallel_loop3A_110, %parallel_loop3A_102 : vector<16xf32>
      %parallel_loop3A_115 = arith.addf %parallel_loop3A_114, %parallel_loop3A_92 : vector<16xf32>
      %parallel_loop3A_116 = arith.subf %parallel_loop3A_113, %parallel_loop3A_107 : vector<16xf32>
      %parallel_loop3A_117 = arith.addf %parallel_loop3A_116, %parallel_loop3A_98 : vector<16xf32>
      %parallel_loop3A_118 = arith.mulf %parallel_loop3A_107, %parallel_loop3A_115 : vector<16xf32>
      %parallel_loop3A_119 = arith.mulf %parallel_loop3A_102, %parallel_loop3A_117 : vector<16xf32>
      %parallel_loop3A_120 = arith.subf %parallel_loop3A_118, %parallel_loop3A_119 : vector<16xf32>
      %parallel_loop3A_121 = arith.addf %parallel_loop3A_83, %parallel_loop3A_120 : vector<16xf32>
      %parallel_loop3A_122 = arith.mulf %parallel_loop3A_102, %parallel_loop3A_102 : vector<16xf32>
      %parallel_loop3A_123 = arith.mulf %parallel_loop3A_122, %parallel_loop3A_106 : vector<16xf32>
      %parallel_loop3A_124 = arith.addf %parallel_loop3A_86, %parallel_loop3A_123 : vector<16xf32>
      %parallel_loop3A_125 = arith.constant true
      %parallel_loop3A_126 = vector.broadcast %parallel_loop3A_125 : i1 to vector<16xi1>
      %parallel_loop3A_127 = tpu.scan <sum>, %parallel_loop3A_102 masked %parallel_loop3A_126 : vector<16xf32>, vector<16xi1> -> vector<16xf32>
      %parallel_loop3A_128 = vector.extract %parallel_loop3A_127[15] : f32 from vector<16xf32>
      %parallel_loop3A_129 = vector.broadcast %parallel_loop3A_128 : f32 to vector<16xf32>
      %parallel_loop3A_130 = arith.addf %parallel_loop3A_92, %parallel_loop3A_129 : vector<16xf32>
      %parallel_loop3A_131 = arith.constant true
      %parallel_loop3A_132 = vector.broadcast %parallel_loop3A_131 : i1 to vector<16xi1>
      %parallel_loop3A_133 = tpu.scan <sum>, %parallel_loop3A_107 masked %parallel_loop3A_132 : vector<16xf32>, vector<16xi1> -> vector<16xf32>
      %parallel_loop3A_134 = vector.extract %parallel_loop3A_133[15] : f32 from vector<16xf32>
      %parallel_loop3A_135 = vector.broadcast %parallel_loop3A_134 : f32 to vector<16xf32>
      %parallel_loop3A_136 = arith.addf %parallel_loop3A_98, %parallel_loop3A_135 : vector<16xf32>
      %parallel_loop3A_137 = arith.constant 48 : i32
      %parallel_loop3A_138 = arith.addi %parallel_loop3A_22, %parallel_loop3A_137 : i32
      %parallel_loop3A_139 = arith.index_cast %parallel_loop3A_138 : i32 to index
      %parallel_loop3A_140 = tpu.vector_load %arg6[%parallel_loop3A_139] {strides = array<i32>} : memref<32768xf32, #tpu.memory_space<vmem>>, vector<16xf32>,
      %parallel_loop3A_141 = arith.index_cast %parallel_loop3A_138 : i32 to index
      %parallel_loop3A_142 = tpu.vector_load %arg7[%parallel_loop3A_141] {strides = array<i32>} : memref<32768xf32, #tpu.memory_space<vmem>>, vector<16xf32>,
      %parallel_loop3A_143 = arith.index_cast %parallel_loop3A_138 : i32 to index
      %parallel_loop3A_144 = tpu.vector_load %arg8[%parallel_loop3A_143] {strides = array<i32>} : memref<32768xf32, #tpu.memory_space<vmem>>, vector<16xf32>,
      %parallel_loop3A_145 = arith.mulf %parallel_loop3A_140, %parallel_loop3A_142 : vector<16xf32>
      %parallel_loop3A_146 = arith.constant true
      %parallel_loop3A_147 = vector.broadcast %parallel_loop3A_146 : i1 to vector<16xi1>
      %parallel_loop3A_148 = tpu.scan <sum>, %parallel_loop3A_140 masked %parallel_loop3A_147 : vector<16xf32>, vector<16xi1> -> vector<16xf32>
      %parallel_loop3A_149 = arith.constant true
      %parallel_loop3A_150 = vector.broadcast %parallel_loop3A_149 : i1 to vector<16xi1>
      %parallel_loop3A_151 = tpu.scan <sum>, %parallel_loop3A_145 masked %parallel_loop3A_150 : vector<16xf32>, vector<16xi1> -> vector<16xf32>
      %parallel_loop3A_152 = arith.subf %parallel_loop3A_148, %parallel_loop3A_140 : vector<16xf32>
      %parallel_loop3A_153 = arith.addf %parallel_loop3A_152, %parallel_loop3A_130 : vector<16xf32>
      %parallel_loop3A_154 = arith.subf %parallel_loop3A_151, %parallel_loop3A_145 : vector<16xf32>
      %parallel_loop3A_155 = arith.addf %parallel_loop3A_154, %parallel_loop3A_136 : vector<16xf32>
      %parallel_loop3A_156 = arith.mulf %parallel_loop3A_145, %parallel_loop3A_153 : vector<16xf32>
      %parallel_loop3A_157 = arith.mulf %parallel_loop3A_140, %parallel_loop3A_155 : vector<16xf32>
      %parallel_loop3A_158 = arith.subf %parallel_loop3A_156, %parallel_loop3A_157 : vector<16xf32>
      %parallel_loop3A_159 = arith.addf %parallel_loop3A_121, %parallel_loop3A_158 : vector<16xf32>
      %parallel_loop3A_160 = arith.mulf %parallel_loop3A_140, %parallel_loop3A_140 : vector<16xf32>
      %parallel_loop3A_161 = arith.mulf %parallel_loop3A_160, %parallel_loop3A_144 : vector<16xf32>
      %parallel_loop3A_162 = arith.addf %parallel_loop3A_124, %parallel_loop3A_161 : vector<16xf32>
      %parallel_loop3A_163 = arith.constant true
      %parallel_loop3A_164 = vector.broadcast %parallel_loop3A_163 : i1 to vector<16xi1>
      %parallel_loop3A_165 = tpu.scan <sum>, %parallel_loop3A_140 masked %parallel_loop3A_164 : vector<16xf32>, vector<16xi1> -> vector<16xf32>
      %parallel_loop3A_166 = vector.extract %parallel_loop3A_165[15] : f32 from vector<16xf32>
      %parallel_loop3A_167 = vector.broadcast %parallel_loop3A_166 : f32 to vector<16xf32>
      %parallel_loop3A_168 = arith.addf %parallel_loop3A_130, %parallel_loop3A_167 : vector<16xf32>
      %parallel_loop3A_169 = arith.constant true
      %parallel_loop3A_170 = vector.broadcast %parallel_loop3A_169 : i1 to vector<16xi1>
      %parallel_loop3A_171 = tpu.scan <sum>, %parallel_loop3A_145 masked %parallel_loop3A_170 : vector<16xf32>, vector<16xi1> -> vector<16xf32>
      %parallel_loop3A_172 = vector.extract %parallel_loop3A_171[15] : f32 from vector<16xf32>
      %parallel_loop3A_173 = vector.broadcast %parallel_loop3A_172 : f32 to vector<16xf32>
      %parallel_loop3A_174 = arith.addf %parallel_loop3A_136, %parallel_loop3A_173 : vector<16xf32>
      %parallel_loop3A_175 = arith.constant 64 : i32
      %parallel_loop3A_176 = arith.addi %parallel_loop3A_22, %parallel_loop3A_175 : i32
      %parallel_loop3A_177 = arith.index_cast %parallel_loop3A_176 : i32 to index
      %parallel_loop3A_178 = tpu.vector_load %arg6[%parallel_loop3A_177] {strides = array<i32>} : memref<32768xf32, #tpu.memory_space<vmem>>, vector<16xf32>,
      %parallel_loop3A_179 = arith.index_cast %parallel_loop3A_176 : i32 to index
      %parallel_loop3A_180 = tpu.vector_load %arg7[%parallel_loop3A_179] {strides = array<i32>} : memref<32768xf32, #tpu.memory_space<vmem>>, vector<16xf32>,
      %parallel_loop3A_181 = arith.index_cast %parallel_loop3A_176 : i32 to index
      %parallel_loop3A_182 = tpu.vector_load %arg8[%parallel_loop3A_181] {strides = array<i32>} : memref<32768xf32, #tpu.memory_space<vmem>>, vector<16xf32>,
      %parallel_loop3A_183 = arith.mulf %parallel_loop3A_178, %parallel_loop3A_180 : vector<16xf32>
      %parallel_loop3A_184 = arith.constant true
      %parallel_loop3A_185 = vector.broadcast %parallel_loop3A_184 : i1 to vector<16xi1>
      %parallel_loop3A_186 = tpu.scan <sum>, %parallel_loop3A_178 masked %parallel_loop3A_185 : vector<16xf32>, vector<16xi1> -> vector<16xf32>
      %parallel_loop3A_187 = arith.constant true
      %parallel_loop3A_188 = vector.broadcast %parallel_loop3A_187 : i1 to vector<16xi1>
      %parallel_loop3A_189 = tpu.scan <sum>, %parallel_loop3A_183 masked %parallel_loop3A_188 : vector<16xf32>, vector<16xi1> -> vector<16xf32>
      %parallel_loop3A_190 = arith.subf %parallel_loop3A_186, %parallel_loop3A_178 : vector<16xf32>
      %parallel_loop3A_191 = arith.addf %parallel_loop3A_190, %parallel_loop3A_168 : vector<16xf32>
      %parallel_loop3A_192 = arith.subf %parallel_loop3A_189, %parallel_loop3A_183 : vector<16xf32>
      %parallel_loop3A_193 = arith.addf %parallel_loop3A_192, %parallel_loop3A_174 : vector<16xf32>
      %parallel_loop3A_194 = arith.mulf %parallel_loop3A_183, %parallel_loop3A_191 : vector<16xf32>
      %parallel_loop3A_195 = arith.mulf %parallel_loop3A_178, %parallel_loop3A_193 : vector<16xf32>
      %parallel_loop3A_196 = arith.subf %parallel_loop3A_194, %parallel_loop3A_195 : vector<16xf32>
      %parallel_loop3A_197 = arith.addf %parallel_loop3A_159, %parallel_loop3A_196 : vector<16xf32>
      %parallel_loop3A_198 = arith.mulf %parallel_loop3A_178, %parallel_loop3A_178 : vector<16xf32>
      %parallel_loop3A_199 = arith.mulf %parallel_loop3A_198, %parallel_loop3A_182 : vector<16xf32>
      %parallel_loop3A_200 = arith.addf %parallel_loop3A_162, %parallel_loop3A_199 : vector<16xf32>
      %parallel_loop3A_201 = arith.constant true
      %parallel_loop3A_202 = vector.broadcast %parallel_loop3A_201 : i1 to vector<16xi1>
      %parallel_loop3A_203 = tpu.scan <sum>, %parallel_loop3A_178 masked %parallel_loop3A_202 : vector<16xf32>, vector<16xi1> -> vector<16xf32>
      %parallel_loop3A_204 = vector.extract %parallel_loop3A_203[15] : f32 from vector<16xf32>
      %parallel_loop3A_205 = vector.broadcast %parallel_loop3A_204 : f32 to vector<16xf32>
      %parallel_loop3A_206 = arith.addf %parallel_loop3A_168, %parallel_loop3A_205 : vector<16xf32>
      %parallel_loop3A_207 = arith.constant true
      %parallel_loop3A_208 = vector.broadcast %parallel_loop3A_207 : i1 to vector<16xi1>
      %parallel_loop3A_209 = tpu.scan <sum>, %parallel_loop3A_183 masked %parallel_loop3A_208 : vector<16xf32>, vector<16xi1> -> vector<16xf32>
      %parallel_loop3A_210 = vector.extract %parallel_loop3A_209[15] : f32 from vector<16xf32>
      %parallel_loop3A_211 = vector.broadcast %parallel_loop3A_210 : f32 to vector<16xf32>
      %parallel_loop3A_212 = arith.addf %parallel_loop3A_174, %parallel_loop3A_211 : vector<16xf32>
      %parallel_loop3A_213 = arith.constant 80 : i32
      %parallel_loop3A_214 = arith.addi %parallel_loop3A_22, %parallel_loop3A_213 : i32
      %parallel_loop3A_215 = arith.index_cast %parallel_loop3A_214 : i32 to index
      %parallel_loop3A_216 = tpu.vector_load %arg6[%parallel_loop3A_215] {strides = array<i32>} : memref<32768xf32, #tpu.memory_space<vmem>>, vector<16xf32>,
      %parallel_loop3A_217 = arith.index_cast %parallel_loop3A_214 : i32 to index
      %parallel_loop3A_218 = tpu.vector_load %arg7[%parallel_loop3A_217] {strides = array<i32>} : memref<32768xf32, #tpu.memory_space<vmem>>, vector<16xf32>,
      %parallel_loop3A_219 = arith.index_cast %parallel_loop3A_214 : i32 to index
      %parallel_loop3A_220 = tpu.vector_load %arg8[%parallel_loop3A_219] {strides = array<i32>} : memref<32768xf32, #tpu.memory_space<vmem>>, vector<16xf32>,
      %parallel_loop3A_221 = arith.mulf %parallel_loop3A_216, %parallel_loop3A_218 : vector<16xf32>
      %parallel_loop3A_222 = arith.constant true
      %parallel_loop3A_223 = vector.broadcast %parallel_loop3A_222 : i1 to vector<16xi1>
      %parallel_loop3A_224 = tpu.scan <sum>, %parallel_loop3A_216 masked %parallel_loop3A_223 : vector<16xf32>, vector<16xi1> -> vector<16xf32>
      %parallel_loop3A_225 = arith.constant true
      %parallel_loop3A_226 = vector.broadcast %parallel_loop3A_225 : i1 to vector<16xi1>
      %parallel_loop3A_227 = tpu.scan <sum>, %parallel_loop3A_221 masked %parallel_loop3A_226 : vector<16xf32>, vector<16xi1> -> vector<16xf32>
      %parallel_loop3A_228 = arith.subf %parallel_loop3A_224, %parallel_loop3A_216 : vector<16xf32>
      %parallel_loop3A_229 = arith.addf %parallel_loop3A_228, %parallel_loop3A_206 : vector<16xf32>
      %parallel_loop3A_230 = arith.subf %parallel_loop3A_227, %parallel_loop3A_221 : vector<16xf32>
      %parallel_loop3A_231 = arith.addf %parallel_loop3A_230, %parallel_loop3A_212 : vector<16xf32>
      %parallel_loop3A_232 = arith.mulf %parallel_loop3A_221, %parallel_loop3A_229 : vector<16xf32>
      %parallel_loop3A_233 = arith.mulf %parallel_loop3A_216, %parallel_loop3A_231 : vector<16xf32>
      %parallel_loop3A_234 = arith.subf %parallel_loop3A_232, %parallel_loop3A_233 : vector<16xf32>
      %parallel_loop3A_235 = arith.addf %parallel_loop3A_197, %parallel_loop3A_234 : vector<16xf32>
      %parallel_loop3A_236 = arith.mulf %parallel_loop3A_216, %parallel_loop3A_216 : vector<16xf32>
      %parallel_loop3A_237 = arith.mulf %parallel_loop3A_236, %parallel_loop3A_220 : vector<16xf32>
      %parallel_loop3A_238 = arith.addf %parallel_loop3A_200, %parallel_loop3A_237 : vector<16xf32>
      %parallel_loop3A_239 = arith.constant true
      %parallel_loop3A_240 = vector.broadcast %parallel_loop3A_239 : i1 to vector<16xi1>
      %parallel_loop3A_241 = tpu.scan <sum>, %parallel_loop3A_216 masked %parallel_loop3A_240 : vector<16xf32>, vector<16xi1> -> vector<16xf32>
      %parallel_loop3A_242 = vector.extract %parallel_loop3A_241[15] : f32 from vector<16xf32>
      %parallel_loop3A_243 = vector.broadcast %parallel_loop3A_242 : f32 to vector<16xf32>
      %parallel_loop3A_244 = arith.addf %parallel_loop3A_206, %parallel_loop3A_243 : vector<16xf32>
      %parallel_loop3A_245 = arith.constant true
      %parallel_loop3A_246 = vector.broadcast %parallel_loop3A_245 : i1 to vector<16xi1>
      %parallel_loop3A_247 = tpu.scan <sum>, %parallel_loop3A_221 masked %parallel_loop3A_246 : vector<16xf32>, vector<16xi1> -> vector<16xf32>
      %parallel_loop3A_248 = vector.extract %parallel_loop3A_247[15] : f32 from vector<16xf32>
      %parallel_loop3A_249 = vector.broadcast %parallel_loop3A_248 : f32 to vector<16xf32>
      %parallel_loop3A_250 = arith.addf %parallel_loop3A_212, %parallel_loop3A_249 : vector<16xf32>
      %parallel_loop3A_251 = arith.constant 96 : i32
      %parallel_loop3A_252 = arith.addi %parallel_loop3A_22, %parallel_loop3A_251 : i32
      %parallel_loop3A_253 = arith.index_cast %parallel_loop3A_252 : i32 to index
      %parallel_loop3A_254 = tpu.vector_load %arg6[%parallel_loop3A_253] {strides = array<i32>} : memref<32768xf32, #tpu.memory_space<vmem>>, vector<16xf32>,
      %parallel_loop3A_255 = arith.index_cast %parallel_loop3A_252 : i32 to index
      %parallel_loop3A_256 = tpu.vector_load %arg7[%parallel_loop3A_255] {strides = array<i32>} : memref<32768xf32, #tpu.memory_space<vmem>>, vector<16xf32>,
      %parallel_loop3A_257 = arith.index_cast %parallel_loop3A_252 : i32 to index
      %parallel_loop3A_258 = tpu.vector_load %arg8[%parallel_loop3A_257] {strides = array<i32>} : memref<32768xf32, #tpu.memory_space<vmem>>, vector<16xf32>,
      %parallel_loop3A_259 = arith.mulf %parallel_loop3A_254, %parallel_loop3A_256 : vector<16xf32>
      %parallel_loop3A_260 = arith.constant true
      %parallel_loop3A_261 = vector.broadcast %parallel_loop3A_260 : i1 to vector<16xi1>
      %parallel_loop3A_262 = tpu.scan <sum>, %parallel_loop3A_254 masked %parallel_loop3A_261 : vector<16xf32>, vector<16xi1> -> vector<16xf32>
      %parallel_loop3A_263 = arith.constant true
      %parallel_loop3A_264 = vector.broadcast %parallel_loop3A_263 : i1 to vector<16xi1>
      %parallel_loop3A_265 = tpu.scan <sum>, %parallel_loop3A_259 masked %parallel_loop3A_264 : vector<16xf32>, vector<16xi1> -> vector<16xf32>
      %parallel_loop3A_266 = arith.subf %parallel_loop3A_262, %parallel_loop3A_254 : vector<16xf32>
      %parallel_loop3A_267 = arith.addf %parallel_loop3A_266, %parallel_loop3A_244 : vector<16xf32>
      %parallel_loop3A_268 = arith.subf %parallel_loop3A_265, %parallel_loop3A_259 : vector<16xf32>
      %parallel_loop3A_269 = arith.addf %parallel_loop3A_268, %parallel_loop3A_250 : vector<16xf32>
      %parallel_loop3A_270 = arith.mulf %parallel_loop3A_259, %parallel_loop3A_267 : vector<16xf32>
      %parallel_loop3A_271 = arith.mulf %parallel_loop3A_254, %parallel_loop3A_269 : vector<16xf32>
      %parallel_loop3A_272 = arith.subf %parallel_loop3A_270, %parallel_loop3A_271 : vector<16xf32>
      %parallel_loop3A_273 = arith.addf %parallel_loop3A_235, %parallel_loop3A_272 : vector<16xf32>
      %parallel_loop3A_274 = arith.mulf %parallel_loop3A_254, %parallel_loop3A_254 : vector<16xf32>
      %parallel_loop3A_275 = arith.mulf %parallel_loop3A_274, %parallel_loop3A_258 : vector<16xf32>
      %parallel_loop3A_276 = arith.addf %parallel_loop3A_238, %parallel_loop3A_275 : vector<16xf32>
      %parallel_loop3A_277 = arith.constant true
      %parallel_loop3A_278 = vector.broadcast %parallel_loop3A_277 : i1 to vector<16xi1>
      %parallel_loop3A_279 = tpu.scan <sum>, %parallel_loop3A_254 masked %parallel_loop3A_278 : vector<16xf32>, vector<16xi1> -> vector<16xf32>
      %parallel_loop3A_280 = vector.extract %parallel_loop3A_279[15] : f32 from vector<16xf32>
      %parallel_loop3A_281 = vector.broadcast %parallel_loop3A_280 : f32 to vector<16xf32>
      %parallel_loop3A_282 = arith.addf %parallel_loop3A_244, %parallel_loop3A_281 : vector<16xf32>
      %parallel_loop3A_283 = arith.constant true
      %parallel_loop3A_284 = vector.broadcast %parallel_loop3A_283 : i1 to vector<16xi1>
      %parallel_loop3A_285 = tpu.scan <sum>, %parallel_loop3A_259 masked %parallel_loop3A_284 : vector<16xf32>, vector<16xi1> -> vector<16xf32>
      %parallel_loop3A_286 = vector.extract %parallel_loop3A_285[15] : f32 from vector<16xf32>
      %parallel_loop3A_287 = vector.broadcast %parallel_loop3A_286 : f32 to vector<16xf32>
      %parallel_loop3A_288 = arith.addf %parallel_loop3A_250, %parallel_loop3A_287 : vector<16xf32>
      %parallel_loop3A_289 = arith.constant 112 : i32
      %parallel_loop3A_290 = arith.addi %parallel_loop3A_22, %parallel_loop3A_289 : i32
      %parallel_loop3A_291 = arith.index_cast %parallel_loop3A_290 : i32 to index
      %parallel_loop3A_292 = tpu.vector_load %arg6[%parallel_loop3A_291] {strides = array<i32>} : memref<32768xf32, #tpu.memory_space<vmem>>, vector<16xf32>,
      %parallel_loop3A_293 = arith.index_cast %parallel_loop3A_290 : i32 to index
      %parallel_loop3A_294 = tpu.vector_load %arg7[%parallel_loop3A_293] {strides = array<i32>} : memref<32768xf32, #tpu.memory_space<vmem>>, vector<16xf32>,
      %parallel_loop3A_295 = arith.index_cast %parallel_loop3A_290 : i32 to index
      %parallel_loop3A_296 = tpu.vector_load %arg8[%parallel_loop3A_295] {strides = array<i32>} : memref<32768xf32, #tpu.memory_space<vmem>>, vector<16xf32>,
      %parallel_loop3A_297 = arith.mulf %parallel_loop3A_292, %parallel_loop3A_294 : vector<16xf32>
      %parallel_loop3A_298 = arith.constant true
      %parallel_loop3A_299 = vector.broadcast %parallel_loop3A_298 : i1 to vector<16xi1>
      %parallel_loop3A_300 = tpu.scan <sum>, %parallel_loop3A_292 masked %parallel_loop3A_299 : vector<16xf32>, vector<16xi1> -> vector<16xf32>
      %parallel_loop3A_301 = arith.constant true
      %parallel_loop3A_302 = vector.broadcast %parallel_loop3A_301 : i1 to vector<16xi1>
      %parallel_loop3A_303 = tpu.scan <sum>, %parallel_loop3A_297 masked %parallel_loop3A_302 : vector<16xf32>, vector<16xi1> -> vector<16xf32>
      %parallel_loop3A_304 = arith.subf %parallel_loop3A_300, %parallel_loop3A_292 : vector<16xf32>
      %parallel_loop3A_305 = arith.addf %parallel_loop3A_304, %parallel_loop3A_282 : vector<16xf32>
      %parallel_loop3A_306 = arith.subf %parallel_loop3A_303, %parallel_loop3A_297 : vector<16xf32>
      %parallel_loop3A_307 = arith.addf %parallel_loop3A_306, %parallel_loop3A_288 : vector<16xf32>
      %parallel_loop3A_308 = arith.mulf %parallel_loop3A_297, %parallel_loop3A_305 : vector<16xf32>
      %parallel_loop3A_309 = arith.mulf %parallel_loop3A_292, %parallel_loop3A_307 : vector<16xf32>
      %parallel_loop3A_310 = arith.subf %parallel_loop3A_308, %parallel_loop3A_309 : vector<16xf32>
      %parallel_loop3A_311 = arith.addf %parallel_loop3A_273, %parallel_loop3A_310 : vector<16xf32>
      %parallel_loop3A_312 = arith.mulf %parallel_loop3A_292, %parallel_loop3A_292 : vector<16xf32>
      %parallel_loop3A_313 = arith.mulf %parallel_loop3A_312, %parallel_loop3A_296 : vector<16xf32>
      %parallel_loop3A_314 = arith.addf %parallel_loop3A_276, %parallel_loop3A_313 : vector<16xf32>
      %parallel_loop3A_315 = arith.constant true
      %parallel_loop3A_316 = vector.broadcast %parallel_loop3A_315 : i1 to vector<16xi1>
      %parallel_loop3A_317 = tpu.scan <sum>, %parallel_loop3A_292 masked %parallel_loop3A_316 : vector<16xf32>, vector<16xi1> -> vector<16xf32>
      %parallel_loop3A_318 = vector.extract %parallel_loop3A_317[15] : f32 from vector<16xf32>
      %parallel_loop3A_319 = vector.broadcast %parallel_loop3A_318 : f32 to vector<16xf32>
      %parallel_loop3A_320 = arith.addf %parallel_loop3A_282, %parallel_loop3A_319 : vector<16xf32>
      %parallel_loop3A_321 = arith.constant true
      %parallel_loop3A_322 = vector.broadcast %parallel_loop3A_321 : i1 to vector<16xi1>
      %parallel_loop3A_323 = tpu.scan <sum>, %parallel_loop3A_297 masked %parallel_loop3A_322 : vector<16xf32>, vector<16xi1> -> vector<16xf32>
      %parallel_loop3A_324 = vector.extract %parallel_loop3A_323[15] : f32 from vector<16xf32>
      %parallel_loop3A_325 = vector.broadcast %parallel_loop3A_324 : f32 to vector<16xf32>
      %parallel_loop3A_326 = arith.addf %parallel_loop3A_288, %parallel_loop3A_325 : vector<16xf32>
      %parallel_loop3A_327 = arith.constant 2.000000e+00 : f32
      %parallel_loop3A_328 = vector.broadcast %parallel_loop3A_327 : f32 to vector<16xf32>
      %parallel_loop3A_329 = arith.mulf %parallel_loop3A_328, %parallel_loop3A_311 : vector<16xf32>
      %parallel_loop3A_330 = arith.constant 0.333333343 : f32
      %parallel_loop3A_331 = vector.broadcast %parallel_loop3A_330 : f32 to vector<16xf32>
      %parallel_loop3A_332 = arith.mulf %parallel_loop3A_331, %parallel_loop3A_314 : vector<16xf32>
      %parallel_loop3A_333 = arith.addf %parallel_loop3A_329, %parallel_loop3A_332 : vector<16xf32>
      %parallel_loop3A_334 = arith.constant true
      %parallel_loop3A_335 = vector.broadcast %parallel_loop3A_334 : i1 to vector<16xi1>
      %parallel_loop3A_336 = tpu.scan <sum>, %parallel_loop3A_333 masked %parallel_loop3A_335 : vector<16xf32>, vector<16xi1> -> vector<16xf32>
      %parallel_loop3A_337 = vector.extract %parallel_loop3A_336[15] : f32 from vector<16xf32>
      %parallel_loop3A_338 = vector.broadcast %parallel_loop3A_337 : f32 to vector<16xf32>
      %parallel_loop3A_339 = arith.constant 1.000000e-03 : f32
      %parallel_loop3A_340 = vector.broadcast %parallel_loop3A_339 : f32 to vector<16xf32>
      %parallel_loop3A_341 = arith.mulf %parallel_loop3A_338, %parallel_loop3A_340 : vector<16xf32>
      %parallel_loop3A_342 = vector.broadcast %parallel_loop3A_20 : i32 to vector<16xi32>
      tpu.vector_store_idx %arg9[%parallel_loop3A_342], %parallel_loop3A_341 masked %eq3A_16 : memref<256xf32, #tpu.memory_space<vmem>>[vector<16xi32>], vector<16xf32>, vector<16xi1>
    } {sc.loop_unroll_factor = 1 : i64, sc.parallel_access}
    "tpu.region"() ({
      %run_scoped3A = tpu.sem_alloc : memref<!tpu.dma_semaphore, #tpu.memory_space<semaphore_mem>>
      %dma_start3A_20 = tpu.memref_slice %arg5[%mul3A_2] : memref<8192xf32, #tpu.memory_space<hbm>> -> memref<256xf32, #tpu.memory_space<hbm>>
      %dma_start3A_21 = tpu.memref_slice %arg5[%mul3A_2] : memref<8192xf32, #tpu.memory_space<hbm>> -> memref<256xf32, #tpu.memory_space<hbm>>
      tpu.enqueue_dma source(%arg9 : memref<256xf32, #tpu.memory_space<vmem>>) target(%dma_start3A_21 : memref<256xf32, #tpu.memory_space<hbm>>) target_semaphore(%run_scoped3A : memref<!tpu.dma_semaphore, #tpu.memory_space<semaphore_mem>>)
      %dma_wait3A_22 = tpu.memref_slice %arg5[%mul3A_2] : memref<8192xf32, #tpu.memory_space<hbm>> -> memref<256xf32, #tpu.memory_space<hbm>>
      %dma_wait3A_23 = tpu.memref_slice %arg5[%mul3A_2] : memref<8192xf32, #tpu.memory_space<hbm>> -> memref<256xf32, #tpu.memory_space<hbm>>
      tpu.wait_dma2 semaphore(%run_scoped3A : memref<!tpu.dma_semaphore, #tpu.memory_space<semaphore_mem>>) src(%arg9 : memref<256xf32, #tpu.memory_space<vmem>>) dst(%dma_wait3A_23 : memref<256xf32, #tpu.memory_space<hbm>>)
      tpu.yield
    }) : () -> ()
    return
  }
}

module attributes {stable_mosaic.version = 14 : i64} {
  func.func @_tc_elementwise(%arg0: memref<8192x3xf32, #tpu.memory_space<vmem>>, %arg1: memref<8192x3xf32, #tpu.memory_space<vmem>>, %arg2: memref<8192x1xf32, #tpu.memory_space<vmem>>, %arg3: memref<8192x3xf32, #tpu.memory_space<vmem>>, %arg4: memref<8192x1xf32, #tpu.memory_space<vmem>>) attributes {dimension_semantics = [], scalar_prefetch = 0 : i64, scratch_operands = 0 : i64, tpu.core_type = #tpu.core_type<tc>} {
    %get3A = arith.constant 0 : index
    %get3A_0 = arith.constant 0 : index
    %get3A_1 = vector.load %arg0[%get3A, %get3A_0] : memref<8192x3xf32, #tpu.memory_space<vmem>>, vector<8192x3xf32>
    %get3A_2 = arith.constant 0 : index
    %get3A_3 = arith.constant 0 : index
    %get3A_4 = vector.load %arg1[%get3A_2, %get3A_3] : memref<8192x3xf32, #tpu.memory_space<vmem>>, vector<8192x3xf32>
    %sub3A = arith.subf %get3A_1, %get3A_4 : vector<8192x3xf32>
    %mul3A = arith.mulf %sub3A, %sub3A : vector<8192x3xf32>
    %add3A = arith.constant 9.99999974E-6 : f32
    %add3A_5 = vector.broadcast %add3A : f32 to vector<8192x3xf32>
    %add3A_6 = arith.addf %mul3A, %add3A_5 : vector<8192x3xf32>
    %swap3A = arith.constant 0 : index
    %swap3A_7 = arith.constant 0 : index
    %swap3A_8 = vector.load %arg3[%swap3A, %swap3A_7] : memref<8192x3xf32, #tpu.memory_space<vmem>>, vector<8192x3xf32>
    tpu.vector_store %arg3[%swap3A, %swap3A_7], %add3A_6 {strides = array<i32>} : memref<8192x3xf32, #tpu.memory_space<vmem>>, vector<8192x3xf32>,
    %get3A_9 = arith.constant 0 : index
    %get3A_10 = arith.constant 0 : index
    %get3A_11 = vector.load %arg2[%get3A_9, %get3A_10] : memref<8192x1xf32, #tpu.memory_space<vmem>>, vector<8192x1xf32>
    %add3A_12 = arith.constant 9.99999974E-6 : f32
    %add3A_13 = vector.broadcast %add3A_12 : f32 to vector<8192x1xf32>
    %add3A_14 = arith.addf %get3A_11, %add3A_13 : vector<8192x1xf32>
    %log3A = math.log %add3A_14 : vector<8192x1xf32>
    %mul3A_15 = arith.mulf %add3A_14, %log3A : vector<8192x1xf32>
    %mul3A_16 = arith.constant -1.000000e-03 : f32
    %mul3A_17 = vector.broadcast %mul3A_16 : f32 to vector<8192x1xf32>
    %mul3A_18 = arith.mulf %mul3A_17, %mul3A_15 : vector<8192x1xf32>
    %swap3A_19 = arith.constant 0 : index
    %swap3A_20 = arith.constant 0 : index
    %swap3A_21 = vector.load %arg4[%swap3A_19, %swap3A_20] : memref<8192x1xf32, #tpu.memory_space<vmem>>, vector<8192x1xf32>
    tpu.vector_store %arg4[%swap3A_19, %swap3A_20], %mul3A_18 {strides = array<i32>} : memref<8192x1xf32, #tpu.memory_space<vmem>>, vector<8192x1xf32>,
    return
  }
}

</mosaic_0001>

<sc_bundles>
// kernel: kernel.4.cloned.1.call-start
scs
__scs_entry_jumppad:
0x0: {  	(pc) =	sbr.rel $0x88, $3  }
0x1: {  	(tag) =	ssettag $0x0;
	lr =	simm.s32 $0x1  }
0x2: {  	[smem:$0x3F9B] =	sst lr;
	_ =	strace $0xD0000000  }
0x3: {  	_ = 	snop  }
0x4: {  	_ = 	snop  }
0x5: {  	_ = 	snop  }
0x6: {  	_ = 	snop  }
0x7: {  	_ = 	snop  }
__scs_overlays_trampoline_lowered:
0x8: {  	[smem:$0x3FAA] =	sst s0  }
0x9: {  	[smem:$0x3FAB] =	sst s1  }
0xa: {  	[smem:$0x3FAC] =	sst s2  }
0xb: {  	[smem:$0x3FAD] =	sst s3  }
0xc: {  	[smem:$0x3FAE] =	sst s4  }
0xd: {  	[smem:$0x3FAF] =	sst s5  }
0xe: {  	[smem:$0x3FB0] =	sst s6  }
0xf: {  	[smem:$0x3FB1] =	sst s7  }
0x10: {  	[smem:$0x3FB2] =	sst s8  }
0x11: {  	[smem:$0x3FB3] =	sst s9;
	s0 =	simm.s32 @!p0 $0x0  }
0x12: {  	s1 =	sld [smem:$0x3F99];
	s0 =	simm.s32 @p0 $0x1  }
0x13: {  	[smem:$0x3FB4] =	sst s0;
	s0 =	simm.s32 @!p1 $0x0  }
0x14: {  	s2 =	sld [smem:$0x3F98];
	s0 =	simm.s32 @p1 $0x1  }
0x15: {  	[smem:$0x3FB5] =	sst s0;
	s0 =	simm.s32 @!p2 $0x0  }
0x16: {  	s3 =	sld [smem:$0x3FDB];
	s0 =	simm.s32 @p2 $0x1  }
0x17: {  	s4 =	simm.s32 $0x1BF5;
	[smem:$0x3FB7] =	sst s0  }
0x18: {  	s0 =	sld [smem:$0x3F9A];
	_ =	swait.ge [sflag:s4], $0x0  }
0x19: {  	s7 =	sld [smem:$0x3F9B]  }
0x1a: {  	s8 =	sadd.s32 $0xFFFFE003, lr  }
0x1b: {  	s9 =	sadd.s32 $0xFFFFFEF7, lr;
	s5 =	simm.s32 $0xFFFFFFFF;
	p2 =	slt.u32 s8, $0xFFFFF086  }
0x1c: {  	p1 =	slt.u32 s9, $0xF7A;
	s5 =	simm.s32 @!p2 $0x0  }
0x1d: {  	s5 =	simm.s32 @p1 $0x1;
	p0 =	seq.s32 s7, s2  }
0x1e: {  	s7 =	smul.u32 @!p0 $0xF7A, s2;
	p2 =	seq.s32 @!p0 s5, $0x0  }
0x1f: {  	s9 =	smul.u32 $0xF7A, s1;
	s8 =	simm.s32 @!p0 $0x1BF5;
	p2 =	por !p2, p0  }
0x20: {  	[sflag:s8] =	ssyncset.s32 @!p0 $0xFFFFF086;
	s6 =	sadd.s32 @!p0 s3, s7;
	s7 =	simm.s32 @!p0 $0x108  }
0x21: {  	s3 =	sadd.s32 s3, s9;
	s6 =	sadd.s32 @!p0 $0x88, s6;
	s7 =	simm.s32 @p2 $0x1082  }
0x22: {  	[simem:s7], [sflag:s8] =	dma.local @!p0 [hbm:s6], $0xF7A  }
0x23: {  	s9 =	sor.u32 $0xD0000000, s2;
	s6 =	simm.s32 $0x108;
	_ =	swait.ge @!p0 [sflag:s8], $0x0  }
0x24: {  	s3 =	sadd.s32 $0x88, s3;
	s6 =	simm.s32 @!p1 $0x1082;
	[sflag:s4] =	ssyncset.s32 $0xFFFFF086  }
0x25: {  	[simem:s6], [sflag:s4] =	dma.local [hbm:s3], $0xF7A  }
0x26: {  	[smem:$0x3F9B] =	sst s1;
	(tag) =	ssettag s2;
	_ =	strace s9  }
0x27: {  	s1 =	sld [smem:$0x3FAB]  }
0x28: {  	s2 =	sld [smem:$0x3FAC]  }
0x29: {  	s4 =	sld [smem:$0x3FAE]  }
0x2a: {  	p0 =	seq.s32 s5, $0x0;
	s5 =	sld [smem:$0x3FAF]  }
0x2b: {  	s6 =	sld [smem:$0x3FB0]  }
0x2c: {  	s7 =	sld [smem:$0x3FB1]  }
0x2d: {  	s3 =	simm.s32 $0x108;
	s8 =	sld [smem:$0x3FB2]  }
0x2e: {  	s3 =	simm.s32 @!p0 $0x1082;
	s9 =	sld [smem:$0x3FB3]  }
0x2f: {  	lr =	sadd.s32 s0, s3;
	s0 =	sld [smem:$0x3FAA]  }
0x30: {  	s3 =	sld [smem:$0x3FAD]  }
0x31: {  	[smem:$0x3FB6] =	sst s10  }
0x32: {  	s10 =	sld [smem:$0x3FB4];
	_ =	sdelay $0x3  }
0x33: {  	p0 =	seq.s32 s10, $0x1;
	s10 =	sld [smem:$0x3FB6];
	_ =	sdelay $0x3  }
0x34: {  	[smem:$0x3FB6] =	sst s10  }
0x35: {  	s10 =	sld [smem:$0x3FB5];
	_ =	sdelay $0x3  }
0x36: {  	p1 =	seq.s32 s10, $0x1;
	s10 =	sld [smem:$0x3FB6];
	_ =	sdelay $0x3  }
0x37: {  	[smem:$0x3FB6] =	sst s10  }
0x38: {  	s10 =	sld [smem:$0x3FB7]  }
0x39: {  	_ = 	snop;
	(pc) =	sbr.ind lr, $3  }
0x3a: {  	_ = 	snop  }
0x3b: {  	_ = 	snop  }
0x3c: {  	p2 =	seq.s32 s10, $0x1;
	s10 =	sld [smem:$0x3FB6]  }
0x3d: {  	_ =	shalt  }
0x3e: {  	_ =	shalt  }
0x3f: {  	_ =	shalt  }
0x40: {  	_ =	shalt  }
0x41: {  	_ =	shalt  }
0x42: {  	_ =	shalt  }
0x43: {  	_ =	shalt  }
0x44: {  	_ =	shalt  }
0x45: {  	_ =	shalt  }
0x46: {  	_ =	shalt  }
0x47: {  	_ =	shalt  }
0x48: {  	_ =	shalt  }
0x49: {  	_ =	shalt  }
0x4a: {  	_ =	shalt  }
0x4b: {  	_ =	shalt  }
0x4c: {  	_ =	shalt  }
0x4d: {  	_ =	shalt  }
0x4e: {  	_ =	shalt  }
0x4f: {  	_ =	shalt  }
0x50: {  	_ =	shalt  }
0x51: {  	_ =	shalt  }
0x52: {  	_ =	shalt  }
0x53: {  	_ =	shalt  }
0x54: {  	_ =	shalt  }
0x55: {  	_ =	shalt  }
0x56: {  	_ =	shalt  }
0x57: {  	_ =	shalt  }
0x58: {  	_ =	shalt  }
0x59: {  	_ =	shalt  }
0x5a: {  	_ =	shalt  }
0x5b: {  	_ =	shalt  }
0x5c: {  	_ =	shalt  }
0x5d: {  	_ =	shalt  }
0x5e: {  	_ =	shalt  }
0x5f: {  	_ =	shalt  }
0x60: {  	_ =	shalt  }
0x61: {  	_ =	shalt  }
0x62: {  	_ =	shalt  }
0x63: {  	_ =	shalt  }
0x64: {  	_ =	shalt  }
0x65: {  	_ =	shalt  }
0x66: {  	_ =	shalt  }
0x67: {  	_ =	shalt  }
0x68: {  	_ =	shalt  }
0x69: {  	_ =	shalt  }
0x6a: {  	_ =	shalt  }
0x6b: {  	_ =	shalt  }
0x6c: {  	_ =	shalt  }
0x6d: {  	_ =	shalt  }
0x6e: {  	_ =	shalt  }
0x6f: {  	_ =	shalt  }
0x70: {  	_ =	shalt  }
0x71: {  	_ =	shalt  }
0x72: {  	_ =	shalt  }
0x73: {  	_ =	shalt  }
0x74: {  	_ =	shalt  }
0x75: {  	_ =	shalt  }
0x76: {  	_ =	shalt  }
0x77: {  	_ =	shalt  }
0x78: {  	_ =	shalt  }
0x79: {  	_ =	shalt  }
0x7a: {  	_ =	shalt  }
0x7b: {  	_ =	shalt  }
0x7c: {  	_ =	shalt  }
0x7d: {  	_ =	shalt  }
0x7e: {  	_ =	shalt  }
0x7f: {  	_ =	shalt  }
0x80: {  	_ =	shalt  }
0x81: {  	_ =	shalt  }
0x82: {  	_ =	shalt  }
0x83: {  	_ =	shalt  }
0x84: {  	_ =	shalt  }
0x85: {  	_ =	shalt  }
0x86: {  	_ =	shalt  }
0x87: {  	_ =	shalt  }
.Lfunc_end0:
.L_simem_size_0:
called_computation_lowered:
.L_overlay_start_0:
0x88: {  	s2 =	sld [smem:$0x3FD9]  }
0x89: {  	s3 =	sld [smem:$0x3FFE];
	_ =	sdelay $0x1  }
0x8a: {  	s1 =	srdreg.scid  }
0x8b: {  	s0 =	sand.u32 $0x1, s1  }
0x8c: {  	s15 =	sshll.u32 s0, $0xA;
	s2 =	sadd.s32 s3, s2  }
0x8d: {  	s2 =	sadd.s32 s2, s15  }
0x8e: {  	[smem:$0x3FC2] =	sst s2  }
0x8f: {  	_ = 	snop  }
0x90: {  	s2 =	sld [smem:$0x3FD0]  }
0x91: {  	s16 =	sld [smem:$0x3FC6]  }
0x92: {  	s4 =	sld [smem:$0x3FC5]  }
0x93: {  	s6 =	simm.s32 $0xA;
	s7 =	simm.s32 $0x10;
	s5 =	sld [smem:$0x3FC4]  }
0x94: {  	[smem:s7], [sflag:s6] =	dma.local [hbm:s2], $0x1  }
0x95: {  	_ =	swait.eq [sflag:s6], $0x1  }
0x96: {  	[sflag:s6] =	ssyncset.done $0x0  }
0x97: {  	[sflag:s6] =	ssyncadd.s32 $0xFFFFFFFF  }
0x98: {  	s17 =	sld [smem:$0x12];
	(tm) =	ssettm $0x1  }
0x99: {  	s18 =	sld [smem:$0x3FFB];
	_ =	sdelay $0x3  }
0x9a: {  	_ =	strace s18  }
0x9b: {  	s6 =	sld [smem:$0x3FFC];
	_ =	sdelay $0x3  }
0x9c: {  	_ =	strace s6  }
0x9d: {  	s6 =	sld [smem:$0x3FFD];
	_ =	sdelay $0x3  }
0x9e: {  	_ =	strace s6  }
0x9f: {  	_ =	strace $0x8FFFFFFF  }
0xa0: {  	s19 =	sld [smem:$0x3FDB];
	_ =	sdelay $0x1  }
0xa1: {  	s20 =	simm.s32 $_scs_section_size  }
0xa2: {  	s8 =	simm.s32 $_size__tile_overlayer_lowered;
	s9 =	simm.s32 $_tile_overlayer_lowered  }
0xa3: {  	s23 =	simm.s32 $0x1BFF;
	s22 =	sshll.u32 s9, $0x1;
	s6 =	sadd.s32 s20, s19  }
0xa4: {  	s10 =	simm.s32 $0x0;
	s21 =	sshll.u32 s8, $0x1;
	s8 =	sadd.s32 s22, s6  }
0xa5: {  	[timem:s10], [sflag:s23] =	dma.local [hbm:s8], s21  }
0xa6: {  	_ =	swait.ge [sflag:s23], s21  }
0xa7: {  	s7 =	ssub.s32 $0x0, s21;
	[sflag:s23] =	ssyncset.done $0x0  }
0xa8: {  	[sflag:s23] =	ssyncadd.s32 s7;
	_ =	sdelay $0x1  }
0xa9: {  	s24 =	simm.s32 $0x1B8B  }
0xaa: {  	_ =	swait.ge [sflag:s24], $0x1  }
0xab: {  	[sflag:s24] =	ssyncset.done $0x0  }
0xac: {  	s25 =	simm.s32 $0x1B8E;
	[sflag:s24] =	ssyncadd.s32 $0xFFFFFFFF  }
0xad: {  	s26 =	simm.s32 $execute0_lowered;
	[smem:$0x3FD2] =	sst s25  }
0xae: {  	s7 =	sshll.u32 s26, $0x1;
	_ =	strace $0x80000046;
	[dreg:$0x1] =	wrdreg $0xFFFFFFFF  }
0xaf: {  	s28 =	simm.s32 $_size_execute0_lowered;
	s6 =	sadd.s32 s6, s7;
	[dreg:$0x0] =	wrdreg $0x0  }
0xb0: {  	s7 =	sshll.u32 s28, $0x1;
	[dreg:$0x2] =	wrdreg s6  }
0xb1: {  	[dreg:$0x3] =	wrdreg s7  }
0xb2: {  	[dreg:$0x4] =	wrdreg $0xC0  }
0xb3: {  	_ =	task [dreg:s10], $0x5FFFF  }
0xb4: {  	[dreg:$0x1] =	wrdreg $0xFFFFFFFF  }
0xb5: {  	[dreg:$0x0] =	wrdreg $0x60  }
0xb6: {  	[dreg:$0x2] =	wrdreg s16  }
0xb7: {  	[dreg:$0x3] =	wrdreg s5  }
0xb8: {  	[dreg:$0x4] =	wrdreg s4  }
0xb9: {  	[dreg:$0x5] =	wrdreg s17  }
0xba: {  	[dreg:$0x6] =	wrdreg $0x9  }
0xbb: {  	_ =	task.clear_ibuf [dreg:s10], $0x7FFFF;
	_ =	strace $0x90000046  }
0xbc: {  	s29 =	simm.s32 $0x9;
	_ =	strace $0x80000048  }
0xbd: {  	_ =	swait.ge [sflag:s29], $0x1  }
0xbe: {  	[sflag:s29] =	ssyncadd.s32 $0xFFFFFFFF  }
0xbf: {  	_ =	strace $0x90000048  }
0xc0: {  	_ =	sfence  }
0xc1: {  	s30 =	sld [smem:$0x0];
	_ =	sdelay $0x2  }
0xc2: {  	s31 =	sshll.u32 s1, $0xD;
	s1 =	sshrl.u32 s1, $0x2  }
0xc3: {  	s3 =	sand.u32 $0x4000, s31;
	s1 =	sadd.s32 s1, s30  }
0xc4: {  	s0 =	sor.u32 s3, s0;
	s1 =	sshll.u32 s1, $0x11  }
0xc5: {  	s0 =	sor.u32 s1, s0  }
0xc6: {  	s0 =	sadd.s32 $0x8F2B, s0  }
0xc7: {  	[sflag:s0] =	ssyncadd.remote.s32 $0x1  }
0xc8: {  	_ =	sfence.sel $0xFFFF  }
0xc9: {  	[dreg:$0x0] =	wrdreg $0xFFFFFFFF;
	(pc) =	sbr.abs _section_cstart, $3  }
0xca: {  	[dreg:$0x1] =	wrdreg $0xFFFFFFFF  }
0xcb: {  	_ =	task.clear_ibuf [dreg:s10], $0x2FFFF;
	_ =	strace $0x9FFFFFFF  }
0xcc: {  	(tm) =	ssettm $0x7FFFFFFF  }
0xcd: {  	_ =	shalt  }
tec
execute0_lowered:
.L_overlay_start_1:
0x0: {  	(tag) =	ssettag $0x1  }
0x1: {  	s3 =	rddreg [dreg:$0x0]  }
0x2: {  	s4 =	rddreg [dreg:$0x1]  }
0x3: {  	s5 =	rddreg [dreg:$0x2]  }
0x4: {  	s6 =	rddreg [dreg:$0x3]  }
0x5: {  	s0 =	rddreg [dreg:$0x4]  }
0x6: {  	s7 =	srdreg.scid;
	s1 =	stileid.u32  }
0x7: {  	s2 =	simm.s32 $0x0;
	s11 =	simm.s32 $0x2;
	s12 =	simm.s32 $0x3  }
0x8: {  	s13 =	simm.s32 $0x18000;
	s14 =	simm.s32 $0x4;
	s15 =	simm.s32 $0x0  }
0x9: {  	s7 =	sand.u32 $0x1, s7;
	s8 =	sshll.u32 s1, $0x1;
	[smem:$0x7FF] =	sst s2  }
0xa: {  	s9 =	ssub.s32 $0x2, s7;
	s7 =	sor.u32 s7, s8;
	_ =	strace $0x80000047  }
0xb: {  	s31 =	sshrl.u32 s9, $0x1;
	s10 =	sshll.u32 s7, $0xC;
	s7 =	sshll.u32 s7, $0x5  }
0xc: {  	s8 =	ssub.s32 s9, s31;
	s3 =	sadd.s32 s3, s10;
	s4 =	sadd.s32 s4, s10  }
0xd: {  	s5 =	sadd.s32 s5, s10;
	s6 =	sadd.s32 s6, s7;
	s9 =	simm.s32 $0x10000  }
0xe: {  	s10 =	simm.s32 $0x1;
	s7 =	smax.u32 s8, $0x1;
	s8 =	simm.s32 $0x8000  }
.LBB2_1:
0xf: {  	[tilespmem:s2], [sflag:$0x1] =	stream.linear.gather [hbm4b:s3+s2], $0x8000, $0x38;
	[tilespmem:$0x18100] =	vst v63  }
0x10: {  	_ = 	snop  }
0x11: {  	[tilespmem:s8], [sflag:$0x2] =	stream.linear.gather [hbm4b:s4+s2], $0x8000, $0x38;
	[tilespmem:$0x18100] =	vst v63  }
0x12: {  	_ = 	snop  }
0x13: {  	[tilespmem:s9], [sflag:$0x3] =	stream.linear.gather [hbm4b:s5+s2], $0x8000, $0x38;
	[tilespmem:$0x18100] =	vst v63  }
0x14: {  	_ =	swait.ge [sflag:s10], $0x8000  }
0x15: {  	[sflag:s10] =	ssyncset.done $0x0  }
0x16: {  	[sflag:s10] =	ssyncadd.s32 $0xFFFF8000  }
0x17: {  	_ =	swait.ge [sflag:s11], $0x8000  }
0x18: {  	[sflag:s11] =	ssyncset.done $0x0  }
0x19: {  	[sflag:s11] =	ssyncadd.s32 $0xFFFF8000  }
0x1a: {  	_ =	swait.ge [sflag:s12], $0x8000  }
0x1b: {  	[sflag:s12] =	ssyncset.done $0x0  }
0x1c: {  	s16 =	simm.s32 $0x40;
	[sflag:s12] =	ssyncadd.s32 $0xFFFF8000  }
0x1d: {  	s18 =	simm.s32 $0x8040;
	v1 =	vld [tilespmem:s16+$0xFFFFFFC0]  }
0x1e: {  	v0 =	vld [tilespmem:s18+$0xFFFFFFC0];
	_ =	sdelay $0x2  }
0x1f: {  	v2 =	vld [tilespmem:s18+$0xFFFFFFD0]  }
0x20: {  	v3 =	vld [tilespmem:s16+$0xFFFFFFD0]  }
0x21: {  	v4 =	vmul.f32 v0, v1  }
0x22: {  	(xrf2) =	vadd.scan.msk.f32 $0xffff, v1  }
0x23: {  	v5 =	vld [tilespmem:s16+$0xFFFFFFE0];
	(xrf2) =	vadd.scan.msk.f32 $0xffff, v4  }
0x24: {  	v0 =	vld [tilespmem:s18+$0xFFFFFFE0]  }
0x25: {  	s17 =	simm.s32 $0x10040;
	v2 =	vmul.f32 v2, v3  }
0x26: {  	v6 =	vld [tilespmem:s17+$0xFFFFFFC0]  }
0x27: {  	(xrf2) =	vadd.scan.msk.f32 $0xffff, v2  }
0x28: {  	(xrf2) =	vadd.scan.msk.f32 $0xffff, v5  }
0x29: {  	v8 =	vmul.f32 v1, v1;
	(xrf2) =	vadd.scan.msk.f32 $0xffff, v3;
	v7 =	vmul.f32 v0, v5;
	v0 =	vld [tilespmem:s17+$0xFFFFFFD0]  }
0x2a: {  	v10 =	vld [tilespmem:s16+$0xFFFFFFF0]  }
0x2b: {  	v9 =	vld [tilespmem:s17+$0xFFFFFFE0];
	v6 =	vmul.f32 v6, v8;
	(xrf2) =	vadd.scan.msk.f32 $0xffff, v7  }
0x2c: {  	v11 =	vmul.f32 v3, v3;
	v8 =	vld [tilespmem:s18+$0xFFFFFFF0];
	v12, _, _ =	vpop (xrf2)  }
0x2d: {  	v13 =	vmul.f32 v5, v5;
	v6 =	vadd.f32 $0.0e+00, v6;
	v15 =	vadd.f32 $0.0e+00, v12;
	v14, _, _ =	vpop (xrf2)  }
0x2e: {  	v0 =	vmul.f32 v0, v11;
	v11 =	vsub.f32 v12, v1;
	v12 =	vsub.f32 v14, v4;
	_ =	sdelay $0x1  }
0x2f: {  	v0 =	vadd.f32 v0, v6;
	v6 =	vmul.f32 v9, v13  }
0x30: {  	v9 =	vmul.f32 v8, v10;
	v14 =	vadd.f32 $0.0e+00, v14;
	v16, _, _ =	vpop (xrf2);
	v8 =	vadd.f32 $0.0e+00, v11  }
0x31: {  	v11 =	vadd.f32 $0.0e+00, v12;
	v12, _, _ =	vpop (xrf2)  }
0x32: {  	(xrf2) =	vadd.scan.msk.f32 $0xffff, v10;
	v13 =	vsub.f32 v16, v2;
	v17 =	vadd.f32 v6, v0;
	v6 =	vbroadcast v14, $0xF;
	v18, _, _ =	vpop (xrf2)  }
0x33: {  	v25 =	vld [tilespmem:s16+$0x0];
	v20 =	vbroadcast v15, $0xF;
	v14 =	vadd.f32 v16, v14;
	v21 =	vsub.f32 v18, v3  }
0x34: {  	v19 =	vld [tilespmem:s18+$0x0];
	v4 =	vmul.f32 v8, v4;
	v6 =	vadd.f32 v13, v6;
	v8, _, _ =	vpop (xrf2)  }
0x35: {  	v22 =	vld [tilespmem:s17+$0xFFFFFFF0];
	v16 =	vbroadcast v14, $0xF;
	(xrf2) =	vadd.scan.msk.f32 $0xffff, v9;
	v13 =	vadd.f32 v21, v20;
	v20 =	vsub.f32 v8, v7  }
0x36: {  	v0 =	vld [tilespmem:s16+$0x10];
	v3 =	vmul.f32 v6, v3  }
0x37: {  	v2 =	vmul.f32 v13, v2;
	v6 =	vadd.f32 v20, v16;
	v13 =	vadd.f32 v18, v15  }
0x38: {  	v24 =	vld [tilespmem:s17+$0x10];
	v1 =	vmul.f32 v11, v1;
	v16 =	vsub.f32 v12, v5  }
0x39: {  	v11 =	vld [tilespmem:s18+$0x10];
	v23 =	vmul.f32 v6, v5;
	v5 =	vmul.f32 v10, v10;
	v12 =	vadd.f32 v12, v13  }
0x3a: {  	v19 =	vmul.f32 v19, v25;
	(xrf2) =	vadd.scan.msk.f32 $0xffff, v25;
	v4 =	vsub.f32 v4, v1;
	v1 =	vld [tilespmem:s16+$0x20]  }
0x3b: {  	(xrf2) =	vadd.scan.msk.f32 $0xffff, v0;
	v20 =	vld [tilespmem:s18+$0x20];
	v5 =	vmul.f32 v22, v5;
	v22 =	vbroadcast v12, $0xF  }
0x3c: {  	(xrf2) =	vadd.scan.msk.f32 $0xffff, v19;
	v15 =	vld [tilespmem:s17+$0x0];
	v6 =	vsub.f32 v2, v3;
	v3 =	vbroadcast v13, $0xF;
	v2, _, _ =	vpop (xrf2)  }
0x3d: {  	v14 =	vadd.f32 v8, v14;
	v13 =	vsub.f32 v2, v10  }
0x3e: {  	v21 =	vmul.f32 v25, v25;
	v11 =	vmul.f32 v11, v0;
	v3 =	vadd.f32 v16, v3  }
0x3f: {  	v18 =	vmul.f32 v0, v0;
	v2 =	vadd.f32 v2, v12;
	v13 =	vadd.f32 v13, v22;
	v22, _, _ =	vpop (xrf2)  }
0x40: {  	v12 =	vld [tilespmem:s17+$0x20];
	v8 =	vmul.f32 v20, v1;
	v20 =	vbroadcast v14, $0xF;
	v26 =	vsub.f32 v22, v9  }
0x41: {  	v18 =	vmul.f32 v24, v18;
	v15 =	vmul.f32 v15, v21  }
0x42: {  	v17 =	vadd.f32 v5, v17;
	v3 =	vmul.f32 v3, v7;
	v20 =	vadd.f32 v26, v20  }
0x43: {  	v16 =	vmul.f32 v1, v1;
	v21 =	vld [tilespmem:s18+$0x30];
	v27 =	vbroadcast v2, $0xF  }
0x44: {  	v5 =	vld [tilespmem:s16+$0x30];
	(xrf2) =	vadd.scan.msk.f32 $0xffff, v11;
	v15 =	vadd.f32 v15, v17;
	v23 =	vsub.f32 v3, v23;
	v13 =	vmul.f32 v13, v9;
	v9, _, _ =	vpop (xrf2)  }
0x45: {  	s20 =	simm.s32 $0xC0;
	v17 =	vsub.f32 v9, v25;
	v24 =	vadd.f32 v9, v2;
	v7 =	vmul.f32 v12, v16;
	v12, _, _ =	vpop (xrf2)  }
0x46: {  	v3 =	vld [tilespmem:s20+$0xFFFFFFD0];
	v15 =	vadd.f32 v18, v15;
	v18 =	vadd.f32 v22, v14;
	v22 =	vmul.f32 v20, v10;
	v20, _, _ =	vpop (xrf2);
	(xrf2) =	vadd.scan.msk.f32 $0xffff, v1  }
0x47: {  	s19 =	simm.s32 $0x80C0;
	v2 =	vld [tilespmem:s20+$0xFFFFFFC0]  }
0x48: {  	s16 =	simm.s32 $0x100C0;
	v26 =	vld [tilespmem:s19+$0xFFFFFFC0];
	v16 =	vadd.f32 v17, v27;
	v14 =	vbroadcast v24, $0xF;
	v17 =	vsub.f32 v12, v0  }
0x49: {  	v9 =	vmul.f32 v21, v5;
	v27 =	vld [tilespmem:s16+$0xFFFFFFC0];
	(xrf2) =	vadd.scan.msk.f32 $0xffff, v5  }
0x4a: {  	v10 =	vadd.f32 v7, v15;
	v7 =	vbroadcast v18, $0xF;
	v28 =	vadd.f32 v17, v14;
	v14 =	vld [tilespmem:s17+$0x30]  }
0x4b: {  	v21 =	vmul.f32 v16, v19;
	v16 =	vsub.f32 v13, v22;
	v13 =	vld [tilespmem:s19+$0xFFFFFFD0];
	v15 =	vsub.f32 v20, v19  }
0x4c: {  	v17 =	vadd.f32 v12, v24;
	(xrf2) =	vadd.scan.msk.f32 $0xffff, v8  }
0x4d: {  	v12 =	vmul.f32 v2, v2;
	v19 =	vmul.f32 v5, v5;
	v29 =	vadd.f32 v15, v7  }
0x4e: {  	v15 =	vmul.f32 v28, v11;
	v24, _, _ =	vpop (xrf2);
	v7 =	vmul.f32 v26, v2  }
0x4f: {  	s21 =	simm.s32 $0x2;
	s18 =	simm.s32 $0x0;
	s17 =	simm.s32 $0x1;
	(xrf2) =	vadd.scan.msk.f32 $0xffff, v9;
	v22 =	vsub.f32 v24, v11;
	v11 =	vmul.f32 v27, v12;
	v12 =	vmul.f32 v29, v25  }
.LBB2_2:
0x50: {  	p0 =	sne.s32 s21, $0xFF;
	v13 =	vmul.f32 v13, v3;
	v14 =	vmul.f32 v14, v19;
	v19, _, _ =	vpop (xrf2);
	s22 =	smov.u32 s21;
	s21 =	sadd.s32 $0x1, s21  }
0x51: {  	v4 =	vadd.f32 $0.0e+00, v4;
	v12 =	vsub.f32 v21, v12  }
0x52: {  	v21 =	vbroadcast v17, $0xF;
	v25 =	vsub.f32 v19, v1;
	(xrf2) =	vadd.scan.msk.f32 $0xffff, v2;
	v14 =	vadd.f32 v14, v10  }
0x53: {  	v10 =	vadd.f32 v20, v18;
	v18, _, _ =	vpop (xrf2)  }
0x54: {  	v4 =	vadd.f32 v6, v4;
	v6 =	vadd.f32 v25, v21  }
0x55: {  	v20 =	vbroadcast v10, $0xF;
	v10 =	vadd.f32 v24, v10;
	v18 =	vsub.f32 v18, v5  }
0x56: {  	v4 =	vadd.f32 v23, v4;
	v6 =	vmul.f32 v6, v8;
	v21 =	vld [tilespmem:s19+$0xFFFFFFE0];
	(xrf2) =	vadd.scan.msk.f32 $0xffff, v7;
	v23, _, _ =	vpop (xrf2)  }
0x57: {  	v20 =	vadd.f32 v22, v20;
	v24 =	vld [tilespmem:s20+$0xFFFFFFE0];
	v22 =	vadd.f32 v23, v10  }
0x58: {  	v4 =	vadd.f32 v16, v4;
	v16 =	vadd.f32 v19, v17  }
0x59: {  	v10 =	vbroadcast v10, $0xF;
	v8 =	vsub.f32 v23, v8;
	v0 =	vmul.f32 v20, v0;
	(xrf2) =	vadd.scan.msk.f32 $0xffff, v13;
	v17, _, _ =	vpop (xrf2)  }
0x5a: {  	v16 =	vbroadcast v16, $0xF;
	v19 =	vbroadcast v22, $0xF;
	v17 =	vsub.f32 v17, v9  }
0x5b: {  	v8 =	vadd.f32 v8, v10;
	v0 =	vsub.f32 v15, v0;
	v20 =	vld [tilespmem:s19+$0xFFFFFFF0]  }
0x5c: {  	v15 =	vmul.f32 v3, v3;
	v16 =	vadd.f32 v18, v16;
	v10 =	vld [tilespmem:s20+$0xFFFFFFF0];
	v22, _, _ =	vpop (xrf2);
	(xrf2) =	vadd.scan.msk.f32 $0xffff, v24;
	v17 =	vadd.f32 v17, v19  }
0x5d: {  	v4 =	vadd.f32 v12, v4;
	v1 =	vmul.f32 v8, v1;
	v19 =	vmul.f32 v24, v24;
	v18 =	vld [tilespmem:s16+$0xFFFFFFD0]  }
0x5e: {  	v12 =	vmul.f32 v16, v9;
	v8 =	vadd.f32 $0.0e+00, v22;
	v5 =	vmul.f32 v17, v5  }
0x5f: {  	v0 =	vadd.f32 v0, v4;
	v1 =	vsub.f32 v6, v1;
	v16 =	vld [tilespmem:s16+$0xFFFFFFE0];
	(xrf2) =	vadd.scan.msk.f32 $0xffff, v3  }
0x60: {  	v9 =	vmul.f32 v21, v24;
	v4 =	vsub.f32 v22, v2;
	v6, _, _ =	vpop (xrf2);
	v5 =	vsub.f32 v12, v5  }
0x61: {  	v0 =	vadd.f32 v1, v0;
	v12 =	vsub.f32 v6, v7;
	v17 =	vmul.f32 v20, v10  }
0x62: {  	v1 =	vadd.f32 $0.0e+00, v11;
	v11 =	vmul.f32 v18, v15;
	(xrf2) =	vadd.scan.msk.f32 $0xffff, v9  }
0x63: {  	v6 =	vadd.f32 $0.0e+00, v6;
	v0 =	vadd.f32 v5, v0;
	v15, _, _ =	vpop (xrf2)  }
0x64: {  	v4 =	vadd.f32 $0.0e+00, v4;
	v1 =	vadd.f32 v11, v1;
	v5 =	vmul.f32 v16, v19  }
0x65: {  	v11 =	vadd.f32 $0.0e+00, v12;
	v16 =	vsub.f32 v15, v13;
	v12 =	vld [tilespmem:s20+$0x0]  }
0x66: {  	v0 =	vadd.f32 v0, v0;
	v5 =	vadd.f32 v5, v1;
	v18, _, _ =	vpop (xrf2);
	v1 =	vmul.f32 $3.333333430e-01, v14  }
0x67: {  	v14 =	vbroadcast v6, $0xF;
	(xrf2) =	vadd.scan.msk.f32 $0xffff, v10  }
0x68: {  	v4 =	vmul.f32 v4, v7;
	v2 =	vmul.f32 v11, v2;
	v0 =	vadd.f32 v0, v1  }
0x69: {  	v1 =	vadd.f32 v16, v14;
	v7 =	vld [tilespmem:s19+$0x10];
	v11, _, _ =	vpop (xrf2)  }
0x6a: {  	v4 =	vsub.f32 v4, v2;
	v2 =	vbroadcast v8, $0xF;
	v14 =	vsub.f32 v11, v3;
	v16 =	vld [tilespmem:s19+$0x0];
	(xrf2) =	vadd.scan.msk.f32 $0xffff, v0  }
0x6b: {  	v1 =	vmul.f32 v1, v3;
	v3 =	vadd.f32 v15, v6;
	v15 =	vmul.f32 v12, v12;
	v0 =	vld [tilespmem:s20+$0x10]  }
0x6c: {  	v2 =	vadd.f32 v14, v2;
	v14 =	vsub.f32 v18, v24;
	v19, _, _ =	vpop (xrf2)  }
0x6d: {  	(xrf2) =	vadd.scan.msk.f32 $0xffff, v17  }
0x6e: {  	v21 =	vsub.f32 v19, v9;
	v2 =	vmul.f32 v2, v13;
	v13 =	vbroadcast v3, $0xF  }
0x6f: {  	v16 =	vmul.f32 v16, v12  }
0x70: {  	v6 =	vsub.f32 v2, v1;
	v1 =	vadd.f32 v21, v13;
	v2 =	vld [tilespmem:s16+$0xFFFFFFF0];
	(xrf2) =	vadd.scan.msk.f32 $0xffff, v12  }
0x71: {  	v13 =	vmul.f32 v0, v0;
	v20, _, _ =	vpop (xrf2)  }
0x72: {  	v8 =	vadd.f32 v11, v8;
	v11 =	vmul.f32 v1, v24;
	v21 =	vld [tilespmem:s16+$0x0]  }
0x73: {  	v23 =	vmov s18;
	s18 =	smov.u32 s17;
	s17 =	smov.u32 s22;
	v22 =	vmul.f32 v10, v10;
	v1 =	vld [tilespmem:s20+$0x20];
	(xrf2) =	vadd.scan.msk.f32 $0xffff, v0  }
0x74: {  	v25 =	vmul.f32 v7, v0;
	v24 =	vbroadcast v8, $0xF;
	v8 =	vadd.f32 v18, v8;
	v7 =	vld [tilespmem:s19+$0x20];
	v18, _, _ =	vpop (xrf2)  }
0x75: {  	v26 =	vsub.f32 v20, v10;
	v2 =	vmul.f32 v2, v22;
	v18 =	vmul.f32 $1.000000050e-03, v18  }
0x76: {  	v22 =	vadd.f32 v14, v24;
	v14 =	vbroadcast v8, $0xF;
	v24 =	vld [tilespmem:s19+$0x30];
	(xrf2) =	vadd.scan.msk.f32 $0xffff, v16  }
0x77: {  	v3 =	vadd.f32 v19, v3;
	v15 =	vmul.f32 v21, v15;
	v19 =	vld [tilespmem:s16+$0x10];
	v21, _, _ =	vpop (xrf2);
	v18 =	vbroadcast v18, $0xF  }
0x78: {  	v20 =	vadd.f32 v20, v8;
	v28 =	vadd.f32 v26, v14;
	v26 =	vld [tilespmem:s16+$0x20];
	v27 =	vmul.f32 v1, v1  }
0x79: {  	v2 =	vadd.f32 v2, v5;
	v8 =	vmul.f32 v7, v1;
	v5 =	vld [tilespmem:s20+$0x30];
	(xrf2) =	vadd.scan.msk.f32 $0xffff, v25;
	[tilespmem:v23+s13+$0x0] =	vst.idx.msk $0x1, v18  }
0x7a: {  	v7 =	vbroadcast v3, $0xF;
	v18 =	vsub.f32 v21, v17;
	v17 =	vmul.f32 v28, v17;
	v14, _, _ =	vpop (xrf2)  }
0x7b: {  	v23 =	vbroadcast v20, $0xF;
	v15 =	vadd.f32 v15, v2;
	v28 =	vadd.f32 v14, v20  }
0x7c: {  	v7 =	vadd.f32 v18, v7;
	v18 =	vsub.f32 v14, v12;
	v13 =	vmul.f32 v19, v13;
	v14 =	vld [tilespmem:s16+$0x30];
	s16 =	sadd.s32 $0x80, s16;
	(xrf2) =	vadd.scan.msk.f32 $0xffff, v1  }
0x7d: {  	v22 =	vmul.f32 v22, v9;
	s20 =	sadd.s32 $0x80, s20;
	v29 =	vld [tilespmem:s16+$0xFFFFFFC0];
	v19 =	vmul.f32 v26, v27;
	v26, _, _ =	vpop (xrf2)  }
0x7e: {  	s19 =	sadd.s32 $0x80, s19;
	v30 =	vadd.f32 v18, v23;
	v2 =	vld [tilespmem:s20+$0xFFFFFFC0];
	v15 =	vadd.f32 v13, v15;
	v9 =	vmul.f32 v24, v5  }
0x7f: {  	v18 =	vadd.f32 v21, v3;
	v24 =	vbroadcast v28, $0xF;
	v27 =	vsub.f32 v26, v0;
	v23 =	vld [tilespmem:s19+$0xFFFFFFC0];
	(xrf2) =	vadd.scan.msk.f32 $0xffff, v5  }
0x80: {  	v7 =	vmul.f32 v7, v10;
	v21 =	vmul.f32 v30, v16;
	v13 =	vld [tilespmem:s19+$0xFFFFFFD0];
	v10 =	vadd.f32 v19, v15;
	v20, _, _ =	vpop (xrf2)  }
.Ltmp0:
0x81: {  	v15 =	vbroadcast v18, $0xF;
	v31 =	vadd.f32 v27, v24;
	v3 =	vld [tilespmem:s20+$0xFFFFFFD0];
	v30 =	vsub.f32 v20, v16;
	(pc) =	sbr.rel @p0 .LBB2_2-.Ltmp0, $4  }
0x82: {  	v19 =	vmul.f32 v5, v5;
	v16 =	vsub.f32 v17, v7;
	v17 =	vadd.f32 v26, v28;
	(xrf2) =	vadd.scan.msk.f32 $0xffff, v8  }
0x83: {  	v26 =	vmul.f32 v2, v2;
	v27 =	vadd.f32 v30, v15;
	v15 =	vmul.f32 v31, v25;
	v24, _, _ =	vpop (xrf2)  }
0x84: {  	v7 =	vmul.f32 v23, v2;
	v23 =	vsub.f32 v22, v11;
	v22 =	vsub.f32 v24, v25  }
0x85: {  	v11 =	vmul.f32 v29, v26;
	v12 =	vmul.f32 v27, v12;
	(xrf2) =	vadd.scan.msk.f32 $0xffff, v9  }
0x86: {  	_ =	sdelay $0x2  }
0x87: {  	v25, _, _ =	vpop (xrf2);
	v4 =	vadd.f32 $0.0e+00, v4;
	v18 =	vadd.f32 v20, v18  }
0x88: {  	v26 =	vbroadcast v17, $0xF;
	v27 =	vsub.f32 v25, v1;
	v12 =	vsub.f32 v21, v12  }
0x89: {  	v44 =	vadd.f32 v25, v17;
	v4 =	vadd.f32 v6, v4;
	v42 =	vbroadcast v18, $0xF  }
0x8a: {  	v13 =	vmul.f32 v13, v3;
	v18 =	vadd.f32 v24, v18;
	v40, _, _ =	vpop (xrf2);
	v41 =	vadd.f32 v27, v26  }
0x8b: {  	v17 =	vbroadcast v44, $0xF;
	v4 =	vadd.f32 v23, v4;
	v21 =	vadd.f32 v22, v42;
	v43, _, _ =	vpop (xrf2)  }
0x8c: {  	(xrf2) =	vadd.scan.msk.f32 $0xffff, v2;
	v24 =	vadd.f32 v43, v18;
	v18 =	vbroadcast v18, $0xF;
	v23 =	vsub.f32 v43, v8  }
0x8d: {  	v6 =	vsub.f32 v40, v5;
	v22 =	vld [tilespmem:s20+$0xFFFFFFE0];
	v4 =	vadd.f32 v16, v4;
	v0 =	vmul.f32 v21, v0;
	v45, _, _ =	vpop (xrf2)  }
0x8e: {  	(xrf2) =	vadd.scan.msk.f32 $0xffff, v7;
	v46 =	vbroadcast v24, $0xF;
	v18 =	vadd.f32 v23, v18;
	v16 =	vsub.f32 v45, v9  }
0x8f: {  	v47 =	vmul.f32 v41, v8;
	v6 =	vadd.f32 v6, v17;
	v0 =	vsub.f32 v15, v0  }
0x90: {  	v53 =	vld [tilespmem:s16+$0xFFFFFFD0];
	v4 =	vadd.f32 v12, v4;
	v49 =	vmul.f32 v18, v1;
	v16 =	vadd.f32 v16, v46  }
0x91: {  	(xrf2) =	vadd.scan.msk.f32 $0xffff, v13;
	v6 =	vmul.f32 v6, v9  }
0x92: {  	v48 =	vld [tilespmem:s19+$0xFFFFFFE0];
	(xrf2) =	vadd.scan.msk.f32 $0xffff, v22;
	v0 =	vadd.f32 v0, v4;
	v1 =	vsub.f32 v47, v49;
	v50 =	vmul.f32 v16, v5  }
0x93: {  	v54 =	vmul.f32 v3, v3;
	(xrf2) =	vadd.scan.msk.f32 $0xffff, v3  }
0x94: {  	v52 =	vmul.f32 v14, v19;
	v25 =	vld [tilespmem:s19+$0x0];
	v0 =	vadd.f32 v1, v0;
	v5 =	vsub.f32 v6, v50  }
0x95: {  	v11 =	vadd.f32 $0.0e+00, v11;
	v9 =	vmul.f32 v53, v54;
	v18 =	vld [tilespmem:s20+$0x0]  }
0x96: {  	v8 =	vadd.f32 v52, v10;
	v55, _, _ =	vpop (xrf2);
	v1 =	vld [tilespmem:s20+$0xFFFFFFF0];
	v0 =	vadd.f32 v5, v0  }
0x97: {  	v56 =	vld [tilespmem:s16+$0xFFFFFFE0];
	v63 =	vadd.f32 v9, v11;
	v58 =	vadd.f32 $0.0e+00, v55;
	v6 =	vmul.f32 v48, v22  }
0x98: {  	v51 =	vld [tilespmem:s19+$0xFFFFFFF0];
	v8 =	vmul.f32 $3.333333430e-01, v8;
	v12 =	vsub.f32 v55, v2;
	v59, _, _ =	vpop (xrf2);
	v0 =	vadd.f32 v0, v0  }
0x99: {  	v34 =	vld [tilespmem:s19+$0x10];
	v57 =	vmul.f32 v22, v22;
	v60 =	vsub.f32 v59, v7;
	v61 =	vadd.f32 $0.0e+00, v59;
	(xrf2) =	vadd.scan.msk.f32 $0xffff, v6  }
0x9a: {  	v21 =	vld [tilespmem:s20+$0x20];
	v12 =	vadd.f32 $0.0e+00, v12;
	v31 =	vbroadcast v58, $0xF;
	v0 =	vadd.f32 v0, v8  }
0x9b: {  	v62, _, _ =	vpop (xrf2);
	v9 =	vmul.f32 v25, v18;
	v39 =	vmul.f32 v18, v18;
	v48 =	vld [tilespmem:s19+$0x20];
	v23 =	vadd.f32 $0.0e+00, v60;
	(xrf2) =	vadd.scan.msk.f32 $0xffff, v1  }
0x9c: {  	v26 =	vsub.f32 v62, v13;
	v27 =	vbroadcast v61, $0xF;
	v5 =	vmul.f32 v56, v57;
	v24, _, _ =	vpop (xrf2);
	(xrf2) =	vadd.scan.msk.f32 $0xffff, v0;
	v0 =	vld [tilespmem:s20+$0x10]  }
0x9d: {  	v41 =	vld [tilespmem:s16+$0x0];
	v37 =	vadd.f32 v62, v61;
	v28 =	vmul.f32 v12, v7;
	v4 =	vmul.f32 v51, v1;
	v29, _, _ =	vpop (xrf2)  }
0x9e: {  	v30 =	vmul.f32 v23, v2;
	v33 =	vadd.f32 v26, v27;
	v26 =	vld [tilespmem:s20+$0x30];
	v32 =	vsub.f32 v29, v3  }
0x9f: {  	v43 =	vbroadcast v37, $0xF;
	v5 =	vadd.f32 v5, v63;
	v51 =	vld [tilespmem:s19+$0x30];
	v12 =	vadd.f32 v29, v58;
	(xrf2) =	vadd.scan.msk.f32 $0xffff, v4  }
0xa0: {  	v38 =	vld [tilespmem:s16+$0xFFFFFFF0];
	v45 =	vmul.f32 v1, v1;
	v2 =	vsub.f32 v28, v30;
	v35 =	vadd.f32 v32, v31;
	(xrf2) =	vadd.scan.msk.f32 $0xffff, v18  }
0xa1: {  	v36 =	vmul.f32 v33, v3;
	v56 =	vmul.f32 v48, v21;
	v11 =	vadd.f32 v24, v12;
	(xrf2) =	vadd.scan.msk.f32 $0xffff, v0  }
0xa2: {  	v42 =	vsub.f32 v24, v22;
	v12 =	vbroadcast v12, $0xF;
	v7 =	vmul.f32 v35, v13  }
0xa3: {  	v2 =	vadd.f32 $0.0e+00, v2;
	v50 =	vbroadcast v11, $0xF;
	v13 =	vmul.f32 v41, v39;
	v40, _, _ =	vpop (xrf2)  }
0xa4: {  	v12 =	vadd.f32 v42, v12;
	v61 =	vmul.f32 v51, v26;
	v44 =	vsub.f32 v40, v6;
	(xrf2) =	vadd.scan.msk.f32 $0xffff, v9  }
0xa5: {  	v33 =	vld [tilespmem:s16+$0x10];
	v3 =	vsub.f32 v7, v36;
	v7 =	vmul.f32 v38, v45;
	v17 =	vmul.f32 v34, v0  }
0xa6: {  	v35 =	vmul.f32 v21, v21;
	v47 =	vmul.f32 v0, v0;
	v19 =	vadd.f32 v44, v43  }
0xa7: {  	v8 =	vadd.f32 v40, v37;
	v5 =	vadd.f32 v7, v5;
	v6 =	vmul.f32 v12, v6;
	v46, _, _ =	vpop (xrf2);
	(xrf2) =	vadd.scan.msk.f32 $0xffff, v17  }
0xa8: {  	v2 =	vadd.f32 v3, v2;
	v49 =	vsub.f32 v46, v1;
	v19 =	vmul.f32 v19, v22;
	v22, _, _ =	vpop (xrf2);
	(xrf2) =	vadd.scan.msk.f32 $0xffff, v21  }
0xa9: {  	v53 =	vadd.f32 v46, v11;
	v54 =	vbroadcast v8, $0xF;
	v5 =	vadd.f32 v13, v5;
	v52, _, _ =	vpop (xrf2)  }
0xaa: {  	v12 =	vmul.f32 v33, v47;
	v10 =	vadd.f32 v49, v50;
	(xrf2) =	vadd.scan.msk.f32 $0xffff, v26;
	v6 =	vsub.f32 v6, v19;
	v57, _, _ =	vpop (xrf2)  }
0xab: {  	v38 =	vld [tilespmem:s16+$0x20];
	v7 =	vbroadcast v53, $0xF;
	v55 =	vsub.f32 v52, v4;
	v8 =	vadd.f32 v52, v8;
	v60, _, _ =	vpop (xrf2);
	(xrf2) =	vadd.scan.msk.f32 $0xffff, v56  }
0xac: {  	v4 =	vmul.f32 v10, v4;
	v58 =	vadd.f32 v57, v53;
	v59 =	vsub.f32 v57, v18  }
0xad: {  	v2 =	vadd.f32 v6, v2;
	v11 =	vadd.f32 v55, v54;
	v31 =	vbroadcast v8, $0xF;
	(xrf2) =	vadd.scan.msk.f32 $0xffff, v61  }
0xae: {  	v62 =	vbroadcast v58, $0xF;
	v7 =	vadd.f32 v59, v7;
	v63 =	vsub.f32 v60, v0;
	v30, _, _ =	vpop (xrf2)  }
0xaf: {  	v1 =	vmul.f32 v11, v1;
	v39 =	vadd.f32 v60, v58;
	v32 =	vsub.f32 v30, v9  }
0xb0: {  	v47 =	vmul.f32 v38, v35;
	v8 =	vadd.f32 v30, v8;
	v34 =	vadd.f32 v63, v62  }
0xb1: {  	v37, _, _ =	vpop (xrf2);
	v7 =	vmul.f32 v7, v9;
	v1 =	vsub.f32 v4, v1;
	v36 =	vadd.f32 v32, v31  }
0xb2: {  	v40 =	vsub.f32 v37, v17;
	v46 =	vbroadcast v8, $0xF;
	v8 =	vadd.f32 v37, v8;
	v41, _, _ =	vpop (xrf2)  }
0xb3: {  	v1 =	vadd.f32 v1, v2;
	v4 =	vmul.f32 v36, v18;
	v43 =	vsub.f32 v41, v21  }
0xb4: {  	v42 =	vbroadcast v39, $0xF;
	v44, _, _ =	vpop (xrf2);
	v10 =	vadd.f32 v40, v46;
	v9 =	vadd.f32 v41, v39  }
0xb5: {  	v48 =	vmul.f32 v34, v17;
	v3 =	vsub.f32 v44, v26;
	v4 =	vsub.f32 v7, v4;
	v49, _, _ =	vpop (xrf2)  }
0xb6: {  	v50 =	vadd.f32 v49, v8;
	v8 =	vbroadcast v8, $0xF;
	v13 =	vsub.f32 v49, v56  }
0xb7: {  	v45 =	vadd.f32 v43, v42;
	v0 =	vmul.f32 v10, v0;
	v9 =	vbroadcast v9, $0xF;
	v51, _, _ =	vpop (xrf2)  }
0xb8: {  	v2 =	vsub.f32 v51, v61;
	v52 =	vbroadcast v50, $0xF;
	v8 =	vadd.f32 v13, v8  }
0xb9: {  	v53 =	vld [tilespmem:s16+$0x30];
	v7 =	vmul.f32 v45, v56;
	v0 =	vsub.f32 v48, v0;
	v3 =	vadd.f32 v3, v9  }
0xba: {  	v1 =	vadd.f32 v4, v1;
	v2 =	vadd.f32 v2, v52;
	v54 =	vmul.f32 v8, v21  }
0xbb: {  	v5 =	vadd.f32 v12, v5;
	v55 =	vmul.f32 v26, v26;
	v3 =	vmul.f32 v3, v61  }
0xbc: {  	v0 =	vadd.f32 v0, v1;
	v2 =	vmul.f32 v2, v26;
	v56 =	vsub.f32 v7, v54  }
0xbd: {  	v57 =	vadd.f32 v47, v5  }
0xbe: {  	v58 =	vmul.f32 v53, v55;
	v2 =	vsub.f32 v3, v2;
	v0 =	vadd.f32 v56, v0;
	_ =	sdelay $0x1  }
0xbf: {  	v59 =	vadd.f32 v58, v57;
	v0 =	vadd.f32 v2, v0;
	_ =	sdelay $0x1  }
0xc0: {  	v1 =	vmul.f32 $3.333333430e-01, v59;
	v0 =	vadd.f32 v0, v0;
	_ =	sdelay $0x1  }
0xc1: {  	v0 =	vadd.f32 v0, v1;
	_ =	sdelay $0x1  }
0xc2: {  	(xrf2) =	vadd.scan.msk.f32 $0xffff, v0;
	_ =	sdelay $0x8  }
0xc3: {  	v60 =	vmov s18  }
0xc4: {  	v62 =	vmov s17;
	v61 =	vmul.f32 $1.000000050e-03, v22;
	v63, _, _ =	vpop (xrf2)  }
0xc5: {  	v3 =	vmul.f32 $1.000000050e-03, v63  }
0xc6: {  	v1 =	vbroadcast v61, $0xF  }
0xc7: {  	s15 =	sadd.s32 $0x1, s15;
	v3 =	vbroadcast v3, $0xF  }
0xc8: {  	p0 =	sne.s32 s15, s7;
	[tilespmem:v60+s13+$0x0] =	vst.idx.msk $0x1, v1  }
.Ltmp1:
0xc9: {  	[tilespmem:v62+s13+$0x0] =	vst.idx.msk $0x1, v3;
	(pc) =	sbr.rel @p0 .LBB2_1-.Ltmp1, $4  }
0xca: {  	[hbm4b:s6+s2] =	stream.linear.scatter [tilespmem:s13], [sflag:$0x4], $0x100, $0x38;
	[tilespmem:$0x18100] =	vst v63  }
0xcb: {  	_ =	swait.ge [sflag:s14], $0x100  }
0xcc: {  	[sflag:s14] =	ssyncset.done $0x0  }
0xcd: {  	[sflag:s14] =	ssyncadd.s32 $0xFFFFFF00  }
0xce: {  	_ =	sfence.sel $0x180000  }
0xcf: {  	[bflag:$0x0] =	sbarrier.arrive $0xFFFF  }
0xd0: {  	p0 =	sne.s32 s1, $0x0;
	_ =	strace $0x90000047  }
0xd1: {  	s0 =	sadd.s32 @!p0 $0x100000, s0;
	[bflag:$0x2] =	sbarrier.arrive $0xFFFF  }
0xd2: {  	[sflag:s0] =	ssyncadd.tile.s32 @!p0 $0x1;
	_ =	shalt  }
.Lfunc_end2:
_tile_overlayer_lowered:
.L_overlay_start_2:
0xd3: {  	(tag) =	ssettag $0x2  }
0xd4: {  	s0 =	rddreg [dreg:$0x0];
	s2 =	stileid.u32  }
0xd5: {  	s1 =	rddreg [dreg:$0x1];
	p0 =	sne.s32 s2, $0x0  }
0xd6: {  	s3 =	rddreg [dreg:$0x2];
	[bflag:$0x3] =	sbarrier.arrive $0xFFFF;
	s2 =	simm.s32 @!p0 $0x1C04  }
0xd7: {  	[timem:s3], [sflag:s2] =	dma.local @!p0 [hbm:s0], s1  }
0xd8: {  	s0 =	simm.s32 @!p0 $0x4  }
0xd9: {  	_ =	swait.ge @!p0 [sflag:s0], s1  }
0xda: {  	s1 =	ssub.s32 @!p0 $0x0, s1;
	[sflag:s0] =	ssyncset.done @!p0 $0x0  }
0xdb: {  	[sflag:s0] =	ssyncadd.s32 @!p0 s1  }
0xdc: {  	[bflag:$0x3] =	sbarrier.arrive $0xFFFF  }
0xdd: {  	_ =	shalt  }

</sc_bundles>
